<compile_context>
chip_gen: v7x
topology: tpu7x:2x2x1
jax: 0.10.2.dev20260603
libtpu: 0.0.44.dev20260713+nightly
codegen_flags: <defaults>
</compile_context>

<pallas_src>
import functools

import jax
import jax.numpy as jnp
from jax import lax
from jax.experimental import pallas as pl
from jax.experimental.pallas import tpu as pltpu
from jax.experimental.pallas import tpu_sc as plsc

_N = 16384
_D = 256
_B = 32
_KP = 4
_NN = 128

_ROWS = _B + 2 * (_KP * _B + _NN)
_PAD_ROWS = 768

_OFF_SEL = 0
_OFF_POS = _B
_OFF_NEG = _OFF_POS + _KP * _B
_OFF_DPOS = _OFF_NEG + _NN
_OFF_DNEG = _OFF_DPOS + _KP * _B


def _sc_gather(table, idx):
    info = plsc.get_sparse_core_info()
    nw = info.num_cores * info.num_subcores
    b_per_w = _PAD_ROWS // nw
    mesh = plsc.VectorSubcoreMesh(core_axis_name="c", subcore_axis_name="s")

    @functools.partial(
        pl.kernel,
        out_type=jax.ShapeDtypeStruct((_PAD_ROWS, _D), jnp.float32),
        mesh=mesh,
        scratch_types=[
            pltpu.VMEM((b_per_w,), jnp.int32),
            pltpu.VMEM((b_per_w, _D), jnp.float32),
            pltpu.SemaphoreType.DMA,
        ],
    )
    def gather_k(table_hbm, idx_hbm, out_hbm, idx_v, rows_v, sem):
        wid = lax.axis_index("s") * info.num_cores + lax.axis_index("c")
        base = wid * b_per_w
        pltpu.sync_copy(idx_hbm.at[pl.ds(base, b_per_w)], idx_v)
        pltpu.async_copy(table_hbm.at[idx_v], rows_v, sem).wait()
        pltpu.sync_copy(rows_v, out_hbm.at[pl.ds(base, b_per_w)])

    return gather_k(table, idx)


_BLK = 2048


def _sweep_body(p_ref, w_ref, dv_ref, out_ref, acc_ref):
    i = pl.program_id(0)
    z = jax.nn.sigmoid(p_ref[...])
    t = jnp.sum(z * w_ref[...], axis=1)
    r = t - dv_ref[0, 0, :]

    @pl.when(i == 0)
    def _():
        acc_ref[0] = 0.0

    acc_ref[0] += jnp.sum(r * r)

    @pl.when(i == pl.num_programs(0) - 1)
    def _():
        out_ref[0] = acc_ref[0] * (1.0 / _N)


def _deg_loss(P, W_d, deg_vec):
    nb = _N // _BLK
    out = pl.pallas_call(
        _sweep_body,
        grid=(nb,),
        in_specs=[
            pl.BlockSpec((_BLK, _D), lambda i: (i, 0)),
            pl.BlockSpec((1, _D), lambda i: (0, 0)),
            pl.BlockSpec((1, 1, _BLK), lambda i: (i, 0, 0)),
        ],
        out_specs=pl.BlockSpec(memory_space=pltpu.SMEM),
        out_shape=jax.ShapeDtypeStruct((1,), jnp.float32),
        scratch_shapes=[pltpu.SMEM((1,), jnp.float32)],
    )(P, W_d.reshape(1, _D), deg_vec.reshape(nb, 1, _BLK))
    return out[0]


def _logsig_sum(h):
    return jnp.sum(-jnp.log1p(jnp.exp(-h)))


def _contrast_body(g_ref, adj_ref, deg_ref):
    zi = jax.nn.sigmoid(g_ref[_OFF_SEL:_OFF_SEL + _B, :])

    def pair_loss(pos_off, neg_off):
        pos_total = jnp.float32(0.0)
        for k in range(_KP):
            zp = jax.nn.sigmoid(g_ref[pos_off + k * _B:pos_off + (k + 1) * _B, :])
            h = jnp.sum(jnp.abs(zi - zp), axis=1)
            pos_total += _logsig_sum(h)
        zn = jax.nn.sigmoid(g_ref[neg_off:neg_off + _NN, :])
        neg_total = jnp.float32(0.0)
        for b in range(_B):
            h = jnp.sum(jnp.abs(zi[b:b + 1, :] - zn), axis=1)
            neg_total += _logsig_sum(h)
        return neg_total - pos_total * (1.0 / _KP)

    adj_ref[0] = pair_loss(_OFF_POS, _OFF_NEG)
    deg_ref[0] = pair_loss(_OFF_DPOS, _OFF_DNEG)


def _contrast(g):
    adj, deg = pl.pallas_call(
        _contrast_body,
        in_specs=[pl.BlockSpec(memory_space=pltpu.VMEM)],
        out_specs=(
            pl.BlockSpec(memory_space=pltpu.SMEM),
            pl.BlockSpec(memory_space=pltpu.SMEM),
        ),
        out_shape=(
            jax.ShapeDtypeStruct((1,), jnp.float32),
            jax.ShapeDtypeStruct((1,), jnp.float32),
        ),
    )(g)
    return adj[0], deg[0]


def kernel(P, W_d, deg_vec, selected_nodes, pos_neigh, neg_samples,
           deg_pos_neigh, deg_neg_samples):
    idx = jnp.concatenate([
        selected_nodes.astype(jnp.int32),
        pos_neigh.T.reshape(-1).astype(jnp.int32),
        neg_samples.astype(jnp.int32),
        deg_pos_neigh.T.reshape(-1).astype(jnp.int32),
        deg_neg_samples.astype(jnp.int32),
        jnp.zeros((_PAD_ROWS - _ROWS,), jnp.int32),
    ])
    g = _sc_gather(P, idx)
    l_adj, l_degdist = _contrast(g)
    l_deg = _deg_loss(P, W_d, deg_vec)
    return (l_adj, l_degdist, l_deg)

# --- scband reference (transcript-rebuilt; emitter-appended) ---
"""Pipeline reference for scband-position-encode-59107339928174 (READ-ONLY COPY).

The authoritative reference and input builder live on the scoring server;
editing this copy changes nothing except your own understanding.
"""

import jax, jax.numpy as jnp
import numpy as np

N = 16384
D = 256
B = 32
KP = 4
NN = 128


def setup_inputs(seed: int = 0) -> dict:
    key = jax.random.key(seed)
    k1, k2, k3 = jax.random.split(key, 3)
    P = jax.random.normal(k1, (N, D), dtype=jnp.float32)
    W_d = jax.random.normal(k2, (D,), dtype=jnp.float32)
    deg_vec = jax.random.normal(k3, (N,), dtype=jnp.float32)
    selected_nodes = jnp.arange(B, dtype=jnp.int32)
    pos_neigh = (jnp.arange(B, dtype=jnp.int32)[:, None] + jnp.array([100, 200, 300, 400], dtype=jnp.int32)[None, :])
    deg_pos_neigh = (jnp.arange(B, dtype=jnp.int32)[:, None] + jnp.array([500, 600, 700, 800], dtype=jnp.int32)[None, :])
    neg_samples = (1000 + jnp.arange(NN, dtype=jnp.int32))
    deg_neg_samples = (3000 + jnp.arange(NN, dtype=jnp.int32))
    return {
        "P": P,
        "W_d": W_d,
        "deg_vec": deg_vec,
        "selected_nodes": selected_nodes,
        "pos_neigh": pos_neigh,
        "neg_samples": neg_samples,
        "deg_pos_neigh": deg_pos_neigh,
        "deg_neg_samples": deg_neg_samples,
    }


def _hamming(zi, zp):
    # (zi - zp).abs().sum(dim=-1)
    return jnp.abs(zi - zp).sum(-1)


def _softmax_approx(Z, Zi, pos_idx, neg_idx):
    # vectorized over the batch of anchor nodes; matches the per-node python loop
    # sum_neg = log(sigmoid(hamming(Z[i], Z[neg]))).sum()  -> scalar per anchor
    h_neg = _hamming(Zi[:, None, :], Z[neg_idx][None, :, :])  # [B, NN]
    sum_neg = jnp.log(jax.nn.sigmoid(h_neg)).sum(-1)  # [B]
    # log_pos = log(sigmoid(hamming(Z[i], Z[pos])))  -> [KP] per anchor
    h_pos = _hamming(Zi[:, None, :], Z[pos_idx])  # [B, KP]
    log_pos = jnp.log(jax.nn.sigmoid(h_pos))  # [B, KP]
    sum_of_logs = (log_pos - sum_neg[:, None]).sum(-1)  # [B]
    num_unique_pos = float(pos_idx.shape[1])
    avg_pos_node = -sum_of_logs / num_unique_pos  # [B]
    return avg_pos_node.sum()


def reference(P, W_d, deg_vec, selected_nodes, pos_neigh, neg_samples, deg_pos_neigh, deg_neg_samples):
    # Z = Sigmoid_alt(P)  (assumed standard logistic sigmoid)
    Z = jax.nn.sigmoid(P)
    # degree_loss: MSE(Z @ W_d, deg_vec)
    deg_prime = Z @ W_d
    L_deg = jnp.mean((deg_prime - deg_vec) ** 2)
    # contrast_adj_n_degDist with scale=True: softmax_approx for adjacency and degree terms
    Zi = Z[selected_nodes]  # [B, D]
    L_adj = _softmax_approx(Z, Zi, pos_neigh, neg_samples)
    L_deg_dist = _softmax_approx(Z, Zi, deg_pos_neigh, deg_neg_samples)
    return (L_adj, L_deg_dist, L_deg)


if False:  # reference __main__ guard neutralized (emitter)
    out = reference(**setup_inputs())
    print([float(o) for o in out])

if __name__ == "__main__":
    import jax
    _d = setup_inputs()
    print(jax.jit(kernel)(*tuple(_d.values())))

</pallas_src>

<mosaic_0001>
#map = affine_map<(d0, d1) -> (0, 0)>
#map1 = affine_map<(d0, d1) -> (0)>
module attributes {stable_mosaic.version = 14 : i64} {
  func.func @gather_k(%arg0: i32, %arg1: i32, %arg2: memref<16384x256xf32, #tpu.memory_space<hbm>>, %arg3: memref<768xi32, #tpu.memory_space<hbm>>, %arg4: memref<768x256xf32, #tpu.memory_space<hbm>>, %arg5: memref<24xi32, #tpu.memory_space<vmem>>, %arg6: memref<24x256xf32, #tpu.memory_space<vmem>>, %arg7: memref<!tpu.dma_semaphore, #tpu.memory_space<semaphore_mem>>) attributes {dimension_semantics = [#tpu.dimension_semantics<core_parallel>, #tpu.dimension_semantics<subcore_parallel>], iteration_bounds = array<i64: 2, 16>, scalar_prefetch = 0 : i64, scratch_operands = 3 : i64, tpu.core_type = #tpu.core_type<sc_vector_subcore>, window_params = [{transform_indices = #map}, {transform_indices = #map1}, {transform_indices = #map}]} {
    %mul3A = arith.constant 2 : i32
    %mul3A_0 = arith.muli %arg1, %mul3A : i32
    %add3A = arith.addi %mul3A_0, %arg0 : i32
    %mul3A_1 = arith.constant 24 : i32
    %mul3A_2 = arith.muli %add3A, %mul3A_1 : i32
    "tpu.region"() ({
      %run_scoped3A = tpu.sem_alloc : memref<!tpu.dma_semaphore, #tpu.memory_space<semaphore_mem>>
      %dma_start3A_7 = tpu.memref_slice %arg3[%mul3A_2] : memref<768xi32, #tpu.memory_space<hbm>> -> memref<24xi32, #tpu.memory_space<hbm>>
      %dma_start3A_8 = tpu.memref_slice %arg3[%mul3A_2] : memref<768xi32, #tpu.memory_space<hbm>> -> memref<24xi32, #tpu.memory_space<hbm>>
      tpu.enqueue_dma source(%dma_start3A_8 : memref<24xi32, #tpu.memory_space<hbm>>) target(%arg5 : memref<24xi32, #tpu.memory_space<vmem>>) target_semaphore(%run_scoped3A : memref<!tpu.dma_semaphore, #tpu.memory_space<semaphore_mem>>)
      %dma_wait3A_9 = tpu.memref_slice %arg3[%mul3A_2] : memref<768xi32, #tpu.memory_space<hbm>> -> memref<24xi32, #tpu.memory_space<hbm>>
      %dma_wait3A_10 = tpu.memref_slice %arg3[%mul3A_2] : memref<768xi32, #tpu.memory_space<hbm>> -> memref<24xi32, #tpu.memory_space<hbm>>
      tpu.wait_dma2 semaphore(%run_scoped3A : memref<!tpu.dma_semaphore, #tpu.memory_space<semaphore_mem>>) src(%dma_wait3A_10 : memref<24xi32, #tpu.memory_space<hbm>>) dst(%arg5 : memref<24xi32, #tpu.memory_space<vmem>>)
      tpu.yield
    }) : () -> ()
    %dma_start3A = arith.constant 0 : i32
    %dma_start3A_3 = arith.constant 0 : i32
    %dma_start3A_4 = tpu.memref_slice %arg2[%dma_start3A, %dma_start3A_3] : memref<16384x256xf32, #tpu.memory_space<hbm>> -> memref<16384x256xf32, #tpu.memory_space<hbm>>
    tpu.enqueue_indirect_dma source(%dma_start3A_4 : memref<16384x256xf32, #tpu.memory_space<hbm>>) target(%arg6 : memref<24x256xf32, #tpu.memory_space<vmem>>) offsets(%arg5 : memref<24xi32, #tpu.memory_space<vmem>>) semaphore(%arg7 : memref<!tpu.dma_semaphore, #tpu.memory_space<semaphore_mem>>)
    %dma_wait3A = arith.constant 0 : i32
    %dma_wait3A_5 = arith.constant 0 : i32
    %dma_wait3A_6 = tpu.memref_slice %arg2[%dma_wait3A, %dma_wait3A_5] : memref<16384x256xf32, #tpu.memory_space<hbm>> -> memref<16384x256xf32, #tpu.memory_space<hbm>>
    tpu.wait_indirect_dma semaphore(%arg7 : memref<!tpu.dma_semaphore, #tpu.memory_space<semaphore_mem>>) src(%dma_wait3A_6 : memref<16384x256xf32, #tpu.memory_space<hbm>>) dst(%arg6 : memref<24x256xf32, #tpu.memory_space<vmem>>)
    "tpu.region"() ({
      %run_scoped3A = tpu.sem_alloc : memref<!tpu.dma_semaphore, #tpu.memory_space<semaphore_mem>>
      %dma_start3A_7 = arith.constant 0 : i32
      %dma_start3A_8 = tpu.memref_slice %arg4[%mul3A_2, %dma_start3A_7] : memref<768x256xf32, #tpu.memory_space<hbm>> -> memref<24x256xf32, #tpu.memory_space<hbm>>
      %dma_start3A_9 = arith.constant 0 : i32
      %dma_start3A_10 = tpu.memref_slice %arg4[%mul3A_2, %dma_start3A_9] : memref<768x256xf32, #tpu.memory_space<hbm>> -> memref<24x256xf32, #tpu.memory_space<hbm>>
      tpu.enqueue_dma source(%arg6 : memref<24x256xf32, #tpu.memory_space<vmem>>) target(%dma_start3A_10 : memref<24x256xf32, #tpu.memory_space<hbm>>) target_semaphore(%run_scoped3A : memref<!tpu.dma_semaphore, #tpu.memory_space<semaphore_mem>>)
      %dma_wait3A_11 = arith.constant 0 : i32
      %dma_wait3A_12 = tpu.memref_slice %arg4[%mul3A_2, %dma_wait3A_11] : memref<768x256xf32, #tpu.memory_space<hbm>> -> memref<24x256xf32, #tpu.memory_space<hbm>>
      %dma_wait3A_13 = arith.constant 0 : i32
      %dma_wait3A_14 = tpu.memref_slice %arg4[%mul3A_2, %dma_wait3A_13] : memref<768x256xf32, #tpu.memory_space<hbm>> -> memref<24x256xf32, #tpu.memory_space<hbm>>
      tpu.wait_dma2 semaphore(%run_scoped3A : memref<!tpu.dma_semaphore, #tpu.memory_space<semaphore_mem>>) src(%arg6 : memref<24x256xf32, #tpu.memory_space<vmem>>) dst(%dma_wait3A_14 : memref<24x256xf32, #tpu.memory_space<hbm>>)
      tpu.yield
    }) : () -> ()
    return
  }
}

module attributes {stable_mosaic.version = 14 : i64} {
  func.func @_sweep_body(%arg0: i32, %arg1: memref<2048x256xf32, #tpu.memory_space<vmem>>, %arg2: memref<1x256xf32, #tpu.memory_space<vmem>>, %arg3: memref<1x1x2048xf32, #tpu.memory_space<vmem>>, %arg4: memref<1xf32, #tpu.memory_space<smem>>, %arg5: memref<1xf32, #tpu.memory_space<smem>>) attributes {dimension_semantics = [#tpu.dimension_semantics<arbitrary>], iteration_bounds = array<i64: 8>, scalar_prefetch = 0 : i64, scratch_operands = 1 : i64, tpu.core_type = #tpu.core_type<tc>, window_params = [{transform_indices = @transform_0, window_bounds = array<i64: 2048, 256>}, {pipeline_mode = #tpu.pipeline_mode<synchronous>, transform_indices = @transform_1, window_bounds = array<i64: 1, 256>}, {transform_indices = @transform_2, window_bounds = array<i64: 1, 1, 2048>}, {transform_indices = @transform_3, window_bounds = array<i64: 1>}]} {
    %get3A = arith.constant 0 : index
    %get3A_0 = arith.constant 0 : index
    %get3A_1 = vector.load %arg1[%get3A, %get3A_0] : memref<2048x256xf32, #tpu.memory_space<vmem>>, vector<2048x256xf32>
    %logistic3A = arith.negf %get3A_1 : vector<2048x256xf32>
    %logistic3A_2 = math.exp %logistic3A : vector<2048x256xf32>
    %logistic3A_3 = arith.constant 1.000000e+00 : f32
    %logistic3A_4 = vector.broadcast %logistic3A_3 : f32 to vector<2048x256xf32>
    %logistic3A_5 = arith.addf %logistic3A_4, %logistic3A_2 : vector<2048x256xf32>
    %logistic3A_6 = arith.divf %logistic3A_4, %logistic3A_5 : vector<2048x256xf32>
    %get3A_7 = arith.constant 0 : index
    %get3A_8 = arith.constant 0 : index
    %get3A_9 = vector.load %arg2[%get3A_7, %get3A_8] : memref<1x256xf32, #tpu.memory_space<vmem>>, vector<1x256xf32>
    %mul3A = vector.broadcast %get3A_9 : vector<1x256xf32> to vector<2048x256xf32>
    %mul3A_10 = arith.mulf %logistic3A_6, %mul3A : vector<2048x256xf32>
    %reduce_sum3A = arith.constant dense<0.000000e+00> : vector<2048xf32>
    %reduce_sum3A_11 = vector.multi_reduction <add>, %mul3A_10, %reduce_sum3A [1] : vector<2048x256xf32> to vector<2048xf32>
    %get3A_12 = arith.constant 0 : index
    %get3A_13 = arith.constant 0 : index
    %get3A_14 = arith.constant 0 : index
    %get3A_15 = vector.load %arg3[%get3A_12, %get3A_13, %get3A_14] : memref<1x1x2048xf32, #tpu.memory_space<vmem>>, vector<1x1x2048xf32>
    %get3A_16 = vector.shape_cast %get3A_15 : vector<1x1x2048xf32> to vector<2048xf32>
    %sub3A = arith.subf %reduce_sum3A_11, %get3A_16 : vector<2048xf32>
    %eq3A = arith.constant 0 : i32
    %eq3A_17 = arith.cmpi eq, %arg0, %eq3A : i32
    %convert_element_type3A = arith.extui %eq3A_17 : i1 to i32
    %cond3A = arith.constant 0 : i32
    %cond3A_18 = arith.cmpi ne, %convert_element_type3A, %cond3A : i32
    scf.if %cond3A_18 {
      %swap3A_33 = arith.constant 0.000000e+00 : f32
      %swap3A_34 = arith.constant 0 : index
      %swap3A_35 = memref.load %arg5[%swap3A_34] : memref<1xf32, #tpu.memory_space<smem>>
      memref.store %swap3A_33, %arg5[%swap3A_34] : memref<1xf32, #tpu.memory_space<smem>>
    } else {
    }
    %get3A_19 = arith.constant 0 : index
    %get3A_20 = memref.load %arg5[%get3A_19] : memref<1xf32, #tpu.memory_space<smem>>
    %mul3A_21 = arith.mulf %sub3A, %sub3A : vector<2048xf32>
    %reduce_sum3A_22 = vector.shape_cast %mul3A_21 : vector<2048xf32> to vector<1x2048xf32>
    %reduce_sum3A_23 = arith.constant dense<0.000000e+00> : vector<1xf32>
    %reduce_sum3A_24 = vector.multi_reduction <add>, %reduce_sum3A_22, %reduce_sum3A_23 [1] : vector<1x2048xf32> to vector<1xf32>
    %reduce_sum3A_25 = vector.shape_cast %reduce_sum3A_24 : vector<1xf32> to vector<1x1xf32>
    %reduce_sum3A_26 = vector.extract %reduce_sum3A_25[0, 0] : f32 from vector<1x1xf32>
    %add3A = arith.addf %get3A_20, %reduce_sum3A_26 : f32
    %swap3A = arith.constant 0 : index
    %swap3A_27 = memref.load %arg5[%swap3A] : memref<1xf32, #tpu.memory_space<smem>>
    memref.store %add3A, %arg5[%swap3A] : memref<1xf32, #tpu.memory_space<smem>>
    %eq3A_28 = arith.constant 7 : i32
    %eq3A_29 = arith.cmpi eq, %arg0, %eq3A_28 : i32
    %convert_element_type3A_30 = arith.extui %eq3A_29 : i1 to i32
    %cond3A_31 = arith.constant 0 : i32
    %cond3A_32 = arith.cmpi ne, %convert_element_type3A_30, %cond3A_31 : i32
    scf.if %cond3A_32 {
      %get3A_33 = arith.constant 0 : index
      %get3A_34 = memref.load %arg5[%get3A_33] : memref<1xf32, #tpu.memory_space<smem>>
      %mul3A_35 = arith.constant 6.10351563E-5 : f32
      %mul3A_36 = arith.mulf %get3A_34, %mul3A_35 : f32
      %swap3A_37 = arith.constant 0 : index
      %swap3A_38 = memref.load %arg4[%swap3A_37] : memref<1xf32, #tpu.memory_space<smem>>
      memref.store %mul3A_36, %arg4[%swap3A_37] : memref<1xf32, #tpu.memory_space<smem>>
    } else {
    }
    return
  }
  func.func @transform_0(%arg0: i32) -> (i32, i32) {
    %c0_i32 = arith.constant 0 : i32
    %c0_i32_0 = arith.constant 0 : i32
    return %arg0, %c0_i32 : i32, i32
  }
  func.func @transform_1(%arg0: i32) -> (i32, i32) {
    %c0_i32 = arith.constant 0 : i32
    %c0_i32_0 = arith.constant 0 : i32
    %c0_i32_1 = arith.constant 0 : i32
    return %c0_i32, %c0_i32_0 : i32, i32
  }
  func.func @transform_2(%arg0: i32) -> (i32, i32, i32) {
    %c0_i32 = arith.constant 0 : i32
    %c0_i32_0 = arith.constant 0 : i32
    %c0_i32_1 = arith.constant 0 : i32
    return %arg0, %c0_i32, %c0_i32_0 : i32, i32, i32
  }
  func.func @transform_3(%arg0: i32) -> i32 {
    %c0_i32 = arith.constant 0 : i32
    %c0_i32_0 = arith.constant 0 : i32
    return %c0_i32 : i32
  }
}

module attributes {stable_mosaic.version = 14 : i64} {
  func.func @_contrast_body(%arg0: memref<768x256xf32, #tpu.memory_space<vmem>>, %arg1: memref<1xf32, #tpu.memory_space<smem>>, %arg2: memref<1xf32, #tpu.memory_space<smem>>) attributes {dimension_semantics = [], scalar_prefetch = 0 : i64, scratch_operands = 0 : i64, tpu.core_type = #tpu.core_type<tc>} {
    %get3A = arith.constant 0 : index
    %get3A_0 = arith.constant 0 : index
    %get3A_1 = vector.load %arg0[%get3A, %get3A_0] : memref<768x256xf32, #tpu.memory_space<vmem>>, vector<32x256xf32>
    %logistic3A = arith.negf %get3A_1 : vector<32x256xf32>
    %logistic3A_2 = math.exp %logistic3A : vector<32x256xf32>
    %logistic3A_3 = arith.constant 1.000000e+00 : f32
    %logistic3A_4 = vector.broadcast %logistic3A_3 : f32 to vector<32x256xf32>
    %logistic3A_5 = arith.addf %logistic3A_4, %logistic3A_2 : vector<32x256xf32>
    %logistic3A_6 = arith.divf %logistic3A_4, %logistic3A_5 : vector<32x256xf32>
    %get3A_7 = arith.constant 32 : index
    %get3A_8 = arith.constant 0 : index
    %get3A_9 = vector.load %arg0[%get3A_7, %get3A_8] : memref<768x256xf32, #tpu.memory_space<vmem>>, vector<32x256xf32>
    %logistic3A_10 = arith.negf %get3A_9 : vector<32x256xf32>
    %logistic3A_11 = math.exp %logistic3A_10 : vector<32x256xf32>
    %logistic3A_12 = arith.constant 1.000000e+00 : f32
    %logistic3A_13 = vector.broadcast %logistic3A_12 : f32 to vector<32x256xf32>
    %logistic3A_14 = arith.addf %logistic3A_13, %logistic3A_11 : vector<32x256xf32>
    %logistic3A_15 = arith.divf %logistic3A_13, %logistic3A_14 : vector<32x256xf32>
    %sub3A = arith.subf %logistic3A_6, %logistic3A_15 : vector<32x256xf32>
    %abs3A = math.absf %sub3A : vector<32x256xf32>
    %reduce_sum3A = arith.constant dense<0.000000e+00> : vector<32xf32>
    %reduce_sum3A_16 = vector.multi_reduction <add>, %abs3A, %reduce_sum3A [1] : vector<32x256xf32> to vector<32xf32>
    %neg3A = arith.constant 0.000000e+00 : f32
    %neg3A_17 = vector.broadcast %neg3A : f32 to vector<32xf32>
    %neg3A_18 = arith.subf %neg3A_17, %reduce_sum3A_16 : vector<32xf32>
    %exp3A = math.exp %neg3A_18 : vector<32xf32>
    %log1p3A = math.log1p %exp3A : vector<32xf32>
    %neg3A_19 = arith.constant 0.000000e+00 : f32
    %neg3A_20 = vector.broadcast %neg3A_19 : f32 to vector<32xf32>
    %neg3A_21 = arith.subf %neg3A_20, %log1p3A : vector<32xf32>
    %reduce_sum3A_22 = vector.shape_cast %neg3A_21 : vector<32xf32> to vector<1x32xf32>
    %reduce_sum3A_23 = arith.constant dense<0.000000e+00> : vector<1xf32>
    %reduce_sum3A_24 = vector.multi_reduction <add>, %reduce_sum3A_22, %reduce_sum3A_23 [1] : vector<1x32xf32> to vector<1xf32>
    %reduce_sum3A_25 = vector.shape_cast %reduce_sum3A_24 : vector<1xf32> to vector<1x1xf32>
    %reduce_sum3A_26 = vector.extract %reduce_sum3A_25[0, 0] : f32 from vector<1x1xf32>
    %add3A = arith.constant 0.000000e+00 : f32
    %add3A_27 = arith.addf %add3A, %reduce_sum3A_26 : f32
    %get3A_28 = arith.constant 64 : index
    %get3A_29 = arith.constant 0 : index
    %get3A_30 = vector.load %arg0[%get3A_28, %get3A_29] : memref<768x256xf32, #tpu.memory_space<vmem>>, vector<32x256xf32>
    %logistic3A_31 = arith.negf %get3A_30 : vector<32x256xf32>
    %logistic3A_32 = math.exp %logistic3A_31 : vector<32x256xf32>
    %logistic3A_33 = arith.constant 1.000000e+00 : f32
    %logistic3A_34 = vector.broadcast %logistic3A_33 : f32 to vector<32x256xf32>
    %logistic3A_35 = arith.addf %logistic3A_34, %logistic3A_32 : vector<32x256xf32>
    %logistic3A_36 = arith.divf %logistic3A_34, %logistic3A_35 : vector<32x256xf32>
    %sub3A_37 = arith.subf %logistic3A_6, %logistic3A_36 : vector<32x256xf32>
    %abs3A_38 = math.absf %sub3A_37 : vector<32x256xf32>
    %reduce_sum3A_39 = arith.constant dense<0.000000e+00> : vector<32xf32>
    %reduce_sum3A_40 = vector.multi_reduction <add>, %abs3A_38, %reduce_sum3A_39 [1] : vector<32x256xf32> to vector<32xf32>
    %neg3A_41 = arith.constant 0.000000e+00 : f32
    %neg3A_42 = vector.broadcast %neg3A_41 : f32 to vector<32xf32>
    %neg3A_43 = arith.subf %neg3A_42, %reduce_sum3A_40 : vector<32xf32>
    %exp3A_44 = math.exp %neg3A_43 : vector<32xf32>
    %log1p3A_45 = math.log1p %exp3A_44 : vector<32xf32>
    %neg3A_46 = arith.constant 0.000000e+00 : f32
    %neg3A_47 = vector.broadcast %neg3A_46 : f32 to vector<32xf32>
    %neg3A_48 = arith.subf %neg3A_47, %log1p3A_45 : vector<32xf32>
    %reduce_sum3A_49 = vector.shape_cast %neg3A_48 : vector<32xf32> to vector<1x32xf32>
    %reduce_sum3A_50 = arith.constant dense<0.000000e+00> : vector<1xf32>
    %reduce_sum3A_51 = vector.multi_reduction <add>, %reduce_sum3A_49, %reduce_sum3A_50 [1] : vector<1x32xf32> to vector<1xf32>
    %reduce_sum3A_52 = vector.shape_cast %reduce_sum3A_51 : vector<1xf32> to vector<1x1xf32>
    %reduce_sum3A_53 = vector.extract %reduce_sum3A_52[0, 0] : f32 from vector<1x1xf32>
    %add3A_54 = arith.addf %add3A_27, %reduce_sum3A_53 : f32
    %get3A_55 = arith.constant 96 : index
    %get3A_56 = arith.constant 0 : index
    %get3A_57 = vector.load %arg0[%get3A_55, %get3A_56] : memref<768x256xf32, #tpu.memory_space<vmem>>, vector<32x256xf32>
    %logistic3A_58 = arith.negf %get3A_57 : vector<32x256xf32>
    %logistic3A_59 = math.exp %logistic3A_58 : vector<32x256xf32>
    %logistic3A_60 = arith.constant 1.000000e+00 : f32
    %logistic3A_61 = vector.broadcast %logistic3A_60 : f32 to vector<32x256xf32>
    %logistic3A_62 = arith.addf %logistic3A_61, %logistic3A_59 : vector<32x256xf32>
    %logistic3A_63 = arith.divf %logistic3A_61, %logistic3A_62 : vector<32x256xf32>
    %sub3A_64 = arith.subf %logistic3A_6, %logistic3A_63 : vector<32x256xf32>
    %abs3A_65 = math.absf %sub3A_64 : vector<32x256xf32>
    %reduce_sum3A_66 = arith.constant dense<0.000000e+00> : vector<32xf32>
    %reduce_sum3A_67 = vector.multi_reduction <add>, %abs3A_65, %reduce_sum3A_66 [1] : vector<32x256xf32> to vector<32xf32>
    %neg3A_68 = arith.constant 0.000000e+00 : f32
    %neg3A_69 = vector.broadcast %neg3A_68 : f32 to vector<32xf32>
    %neg3A_70 = arith.subf %neg3A_69, %reduce_sum3A_67 : vector<32xf32>
    %exp3A_71 = math.exp %neg3A_70 : vector<32xf32>
    %log1p3A_72 = math.log1p %exp3A_71 : vector<32xf32>
    %neg3A_73 = arith.constant 0.000000e+00 : f32
    %neg3A_74 = vector.broadcast %neg3A_73 : f32 to vector<32xf32>
    %neg3A_75 = arith.subf %neg3A_74, %log1p3A_72 : vector<32xf32>
    %reduce_sum3A_76 = vector.shape_cast %neg3A_75 : vector<32xf32> to vector<1x32xf32>
    %reduce_sum3A_77 = arith.constant dense<0.000000e+00> : vector<1xf32>
    %reduce_sum3A_78 = vector.multi_reduction <add>, %reduce_sum3A_76, %reduce_sum3A_77 [1] : vector<1x32xf32> to vector<1xf32>
    %reduce_sum3A_79 = vector.shape_cast %reduce_sum3A_78 : vector<1xf32> to vector<1x1xf32>
    %reduce_sum3A_80 = vector.extract %reduce_sum3A_79[0, 0] : f32 from vector<1x1xf32>
    %add3A_81 = arith.addf %add3A_54, %reduce_sum3A_80 : f32
    %get3A_82 = arith.constant 128 : index
    %get3A_83 = arith.constant 0 : index
    %get3A_84 = vector.load %arg0[%get3A_82, %get3A_83] : memref<768x256xf32, #tpu.memory_space<vmem>>, vector<32x256xf32>
    %logistic3A_85 = arith.negf %get3A_84 : vector<32x256xf32>
    %logistic3A_86 = math.exp %logistic3A_85 : vector<32x256xf32>
    %logistic3A_87 = arith.constant 1.000000e+00 : f32
    %logistic3A_88 = vector.broadcast %logistic3A_87 : f32 to vector<32x256xf32>
    %logistic3A_89 = arith.addf %logistic3A_88, %logistic3A_86 : vector<32x256xf32>
    %logistic3A_90 = arith.divf %logistic3A_88, %logistic3A_89 : vector<32x256xf32>
    %sub3A_91 = arith.subf %logistic3A_6, %logistic3A_90 : vector<32x256xf32>
    %abs3A_92 = math.absf %sub3A_91 : vector<32x256xf32>
    %reduce_sum3A_93 = arith.constant dense<0.000000e+00> : vector<32xf32>
    %reduce_sum3A_94 = vector.multi_reduction <add>, %abs3A_92, %reduce_sum3A_93 [1] : vector<32x256xf32> to vector<32xf32>
    %neg3A_95 = arith.constant 0.000000e+00 : f32
    %neg3A_96 = vector.broadcast %neg3A_95 : f32 to vector<32xf32>
    %neg3A_97 = arith.subf %neg3A_96, %reduce_sum3A_94 : vector<32xf32>
    %exp3A_98 = math.exp %neg3A_97 : vector<32xf32>
    %log1p3A_99 = math.log1p %exp3A_98 : vector<32xf32>
    %neg3A_100 = arith.constant 0.000000e+00 : f32
    %neg3A_101 = vector.broadcast %neg3A_100 : f32 to vector<32xf32>
    %neg3A_102 = arith.subf %neg3A_101, %log1p3A_99 : vector<32xf32>
    %reduce_sum3A_103 = vector.shape_cast %neg3A_102 : vector<32xf32> to vector<1x32xf32>
    %reduce_sum3A_104 = arith.constant dense<0.000000e+00> : vector<1xf32>
    %reduce_sum3A_105 = vector.multi_reduction <add>, %reduce_sum3A_103, %reduce_sum3A_104 [1] : vector<1x32xf32> to vector<1xf32>
    %reduce_sum3A_106 = vector.shape_cast %reduce_sum3A_105 : vector<1xf32> to vector<1x1xf32>
    %reduce_sum3A_107 = vector.extract %reduce_sum3A_106[0, 0] : f32 from vector<1x1xf32>
    %add3A_108 = arith.addf %add3A_81, %reduce_sum3A_107 : f32
    %get3A_109 = arith.constant 160 : index
    %get3A_110 = arith.constant 0 : index
    %get3A_111 = vector.load %arg0[%get3A_109, %get3A_110] : memref<768x256xf32, #tpu.memory_space<vmem>>, vector<128x256xf32>
    %logistic3A_112 = arith.negf %get3A_111 : vector<128x256xf32>
    %logistic3A_113 = math.exp %logistic3A_112 : vector<128x256xf32>
    %logistic3A_114 = arith.constant 1.000000e+00 : f32
    %logistic3A_115 = vector.broadcast %logistic3A_114 : f32 to vector<128x256xf32>
    %logistic3A_116 = arith.addf %logistic3A_115, %logistic3A_113 : vector<128x256xf32>
    %logistic3A_117 = arith.divf %logistic3A_115, %logistic3A_116 : vector<128x256xf32>
    %slice3A = vector.extract_strided_slice %logistic3A_6 {offsets = [0, 0], sizes = [1, 256], strides = [1, 1]} : vector<32x256xf32> to vector<1x256xf32>
    %sub3A_118 = vector.broadcast %slice3A : vector<1x256xf32> to vector<128x256xf32>
    %sub3A_119 = arith.subf %sub3A_118, %logistic3A_117 : vector<128x256xf32>
    %abs3A_120 = math.absf %sub3A_119 : vector<128x256xf32>
    %reduce_sum3A_121 = arith.constant dense<0.000000e+00> : vector<128xf32>
    %reduce_sum3A_122 = vector.multi_reduction <add>, %abs3A_120, %reduce_sum3A_121 [1] : vector<128x256xf32> to vector<128xf32>
    %neg3A_123 = arith.constant 0.000000e+00 : f32
    %neg3A_124 = vector.broadcast %neg3A_123 : f32 to vector<128xf32>
    %neg3A_125 = arith.subf %neg3A_124, %reduce_sum3A_122 : vector<128xf32>
    %exp3A_126 = math.exp %neg3A_125 : vector<128xf32>
    %log1p3A_127 = math.log1p %exp3A_126 : vector<128xf32>
    %neg3A_128 = arith.constant 0.000000e+00 : f32
    %neg3A_129 = vector.broadcast %neg3A_128 : f32 to vector<128xf32>
    %neg3A_130 = arith.subf %neg3A_129, %log1p3A_127 : vector<128xf32>
    %reduce_sum3A_131 = vector.shape_cast %neg3A_130 : vector<128xf32> to vector<1x128xf32>
    %reduce_sum3A_132 = arith.constant dense<0.000000e+00> : vector<1xf32>
    %reduce_sum3A_133 = vector.multi_reduction <add>, %reduce_sum3A_131, %reduce_sum3A_132 [1] : vector<1x128xf32> to vector<1xf32>
    %reduce_sum3A_134 = vector.shape_cast %reduce_sum3A_133 : vector<1xf32> to vector<1x1xf32>
    %reduce_sum3A_135 = vector.extract %reduce_sum3A_134[0, 0] : f32 from vector<1x1xf32>
    %add3A_136 = arith.constant 0.000000e+00 : f32
    %add3A_137 = arith.addf %add3A_136, %reduce_sum3A_135 : f32
    %slice3A_138 = vector.extract_strided_slice %logistic3A_6 {offsets = [1, 0], sizes = [1, 256], strides = [1, 1]} : vector<32x256xf32> to vector<1x256xf32>
    %sub3A_139 = vector.broadcast %slice3A_138 : vector<1x256xf32> to vector<128x256xf32>
    %sub3A_140 = arith.subf %sub3A_139, %logistic3A_117 : vector<128x256xf32>
    %abs3A_141 = math.absf %sub3A_140 : vector<128x256xf32>
    %reduce_sum3A_142 = arith.constant dense<0.000000e+00> : vector<128xf32>
    %reduce_sum3A_143 = vector.multi_reduction <add>, %abs3A_141, %reduce_sum3A_142 [1] : vector<128x256xf32> to vector<128xf32>
    %neg3A_144 = arith.constant 0.000000e+00 : f32
    %neg3A_145 = vector.broadcast %neg3A_144 : f32 to vector<128xf32>
    %neg3A_146 = arith.subf %neg3A_145, %reduce_sum3A_143 : vector<128xf32>
    %exp3A_147 = math.exp %neg3A_146 : vector<128xf32>
    %log1p3A_148 = math.log1p %exp3A_147 : vector<128xf32>
    %neg3A_149 = arith.constant 0.000000e+00 : f32
    %neg3A_150 = vector.broadcast %neg3A_149 : f32 to vector<128xf32>
    %neg3A_151 = arith.subf %neg3A_150, %log1p3A_148 : vector<128xf32>
    %reduce_sum3A_152 = vector.shape_cast %neg3A_151 : vector<128xf32> to vector<1x128xf32>
    %reduce_sum3A_153 = arith.constant dense<0.000000e+00> : vector<1xf32>
    %reduce_sum3A_154 = vector.multi_reduction <add>, %reduce_sum3A_152, %reduce_sum3A_153 [1] : vector<1x128xf32> to vector<1xf32>
    %reduce_sum3A_155 = vector.shape_cast %reduce_sum3A_154 : vector<1xf32> to vector<1x1xf32>
    %reduce_sum3A_156 = vector.extract %reduce_sum3A_155[0, 0] : f32 from vector<1x1xf32>
    %add3A_157 = arith.addf %add3A_137, %reduce_sum3A_156 : f32
    %slice3A_158 = vector.extract_strided_slice %logistic3A_6 {offsets = [2, 0], sizes = [1, 256], strides = [1, 1]} : vector<32x256xf32> to vector<1x256xf32>
    %sub3A_159 = vector.broadcast %slice3A_158 : vector<1x256xf32> to vector<128x256xf32>
    %sub3A_160 = arith.subf %sub3A_159, %logistic3A_117 : vector<128x256xf32>
    %abs3A_161 = math.absf %sub3A_160 : vector<128x256xf32>
    %reduce_sum3A_162 = arith.constant dense<0.000000e+00> : vector<128xf32>
    %reduce_sum3A_163 = vector.multi_reduction <add>, %abs3A_161, %reduce_sum3A_162 [1] : vector<128x256xf32> to vector<128xf32>
    %neg3A_164 = arith.constant 0.000000e+00 : f32
    %neg3A_165 = vector.broadcast %neg3A_164 : f32 to vector<128xf32>
    %neg3A_166 = arith.subf %neg3A_165, %reduce_sum3A_163 : vector<128xf32>
    %exp3A_167 = math.exp %neg3A_166 : vector<128xf32>
    %log1p3A_168 = math.log1p %exp3A_167 : vector<128xf32>
    %neg3A_169 = arith.constant 0.000000e+00 : f32
    %neg3A_170 = vector.broadcast %neg3A_169 : f32 to vector<128xf32>
    %neg3A_171 = arith.subf %neg3A_170, %log1p3A_168 : vector<128xf32>
    %reduce_sum3A_172 = vector.shape_cast %neg3A_171 : vector<128xf32> to vector<1x128xf32>
    %reduce_sum3A_173 = arith.constant dense<0.000000e+00> : vector<1xf32>
    %reduce_sum3A_174 = vector.multi_reduction <add>, %reduce_sum3A_172, %reduce_sum3A_173 [1] : vector<1x128xf32> to vector<1xf32>
    %reduce_sum3A_175 = vector.shape_cast %reduce_sum3A_174 : vector<1xf32> to vector<1x1xf32>
    %reduce_sum3A_176 = vector.extract %reduce_sum3A_175[0, 0] : f32 from vector<1x1xf32>
    %add3A_177 = arith.addf %add3A_157, %reduce_sum3A_176 : f32
    %slice3A_178 = vector.extract_strided_slice %logistic3A_6 {offsets = [3, 0], sizes = [1, 256], strides = [1, 1]} : vector<32x256xf32> to vector<1x256xf32>
    %sub3A_179 = vector.broadcast %slice3A_178 : vector<1x256xf32> to vector<128x256xf32>
    %sub3A_180 = arith.subf %sub3A_179, %logistic3A_117 : vector<128x256xf32>
    %abs3A_181 = math.absf %sub3A_180 : vector<128x256xf32>
    %reduce_sum3A_182 = arith.constant dense<0.000000e+00> : vector<128xf32>
    %reduce_sum3A_183 = vector.multi_reduction <add>, %abs3A_181, %reduce_sum3A_182 [1] : vector<128x256xf32> to vector<128xf32>
    %neg3A_184 = arith.constant 0.000000e+00 : f32
    %neg3A_185 = vector.broadcast %neg3A_184 : f32 to vector<128xf32>
    %neg3A_186 = arith.subf %neg3A_185, %reduce_sum3A_183 : vector<128xf32>
    %exp3A_187 = math.exp %neg3A_186 : vector<128xf32>
    %log1p3A_188 = math.log1p %exp3A_187 : vector<128xf32>
    %neg3A_189 = arith.constant 0.000000e+00 : f32
    %neg3A_190 = vector.broadcast %neg3A_189 : f32 to vector<128xf32>
    %neg3A_191 = arith.subf %neg3A_190, %log1p3A_188 : vector<128xf32>
    %reduce_sum3A_192 = vector.shape_cast %neg3A_191 : vector<128xf32> to vector<1x128xf32>
    %reduce_sum3A_193 = arith.constant dense<0.000000e+00> : vector<1xf32>
    %reduce_sum3A_194 = vector.multi_reduction <add>, %reduce_sum3A_192, %reduce_sum3A_193 [1] : vector<1x128xf32> to vector<1xf32>
    %reduce_sum3A_195 = vector.shape_cast %reduce_sum3A_194 : vector<1xf32> to vector<1x1xf32>
    %reduce_sum3A_196 = vector.extract %reduce_sum3A_195[0, 0] : f32 from vector<1x1xf32>
    %add3A_197 = arith.addf %add3A_177, %reduce_sum3A_196 : f32
    %slice3A_198 = vector.extract_strided_slice %logistic3A_6 {offsets = [4, 0], sizes = [1, 256], strides = [1, 1]} : vector<32x256xf32> to vector<1x256xf32>
    %sub3A_199 = vector.broadcast %slice3A_198 : vector<1x256xf32> to vector<128x256xf32>
    %sub3A_200 = arith.subf %sub3A_199, %logistic3A_117 : vector<128x256xf32>
    %abs3A_201 = math.absf %sub3A_200 : vector<128x256xf32>
    %reduce_sum3A_202 = arith.constant dense<0.000000e+00> : vector<128xf32>
    %reduce_sum3A_203 = vector.multi_reduction <add>, %abs3A_201, %reduce_sum3A_202 [1] : vector<128x256xf32> to vector<128xf32>
    %neg3A_204 = arith.constant 0.000000e+00 : f32
    %neg3A_205 = vector.broadcast %neg3A_204 : f32 to vector<128xf32>
    %neg3A_206 = arith.subf %neg3A_205, %reduce_sum3A_203 : vector<128xf32>
    %exp3A_207 = math.exp %neg3A_206 : vector<128xf32>
    %log1p3A_208 = math.log1p %exp3A_207 : vector<128xf32>
    %neg3A_209 = arith.constant 0.000000e+00 : f32
    %neg3A_210 = vector.broadcast %neg3A_209 : f32 to vector<128xf32>
    %neg3A_211 = arith.subf %neg3A_210, %log1p3A_208 : vector<128xf32>
    %reduce_sum3A_212 = vector.shape_cast %neg3A_211 : vector<128xf32> to vector<1x128xf32>
    %reduce_sum3A_213 = arith.constant dense<0.000000e+00> : vector<1xf32>
    %reduce_sum3A_214 = vector.multi_reduction <add>, %reduce_sum3A_212, %reduce_sum3A_213 [1] : vector<1x128xf32> to vector<1xf32>
    %reduce_sum3A_215 = vector.shape_cast %reduce_sum3A_214 : vector<1xf32> to vector<1x1xf32>
    %reduce_sum3A_216 = vector.extract %reduce_sum3A_215[0, 0] : f32 from vector<1x1xf32>
    %add3A_217 = arith.addf %add3A_197, %reduce_sum3A_216 : f32
    %slice3A_218 = vector.extract_strided_slice %logistic3A_6 {offsets = [5, 0], sizes = [1, 256], strides = [1, 1]} : vector<32x256xf32> to vector<1x256xf32>
    %sub3A_219 = vector.broadcast %slice3A_218 : vector<1x256xf32> to vector<128x256xf32>
    %sub3A_220 = arith.subf %sub3A_219, %logistic3A_117 : vector<128x256xf32>
    %abs3A_221 = math.absf %sub3A_220 : vector<128x256xf32>
    %reduce_sum3A_222 = arith.constant dense<0.000000e+00> : vector<128xf32>
    %reduce_sum3A_223 = vector.multi_reduction <add>, %abs3A_221, %reduce_sum3A_222 [1] : vector<128x256xf32> to vector<128xf32>
    %neg3A_224 = arith.constant 0.000000e+00 : f32
    %neg3A_225 = vector.broadcast %neg3A_224 : f32 to vector<128xf32>
    %neg3A_226 = arith.subf %neg3A_225, %reduce_sum3A_223 : vector<128xf32>
    %exp3A_227 = math.exp %neg3A_226 : vector<128xf32>
    %log1p3A_228 = math.log1p %exp3A_227 : vector<128xf32>
    %neg3A_229 = arith.constant 0.000000e+00 : f32
    %neg3A_230 = vector.broadcast %neg3A_229 : f32 to vector<128xf32>
    %neg3A_231 = arith.subf %neg3A_230, %log1p3A_228 : vector<128xf32>
    %reduce_sum3A_232 = vector.shape_cast %neg3A_231 : vector<128xf32> to vector<1x128xf32>
    %reduce_sum3A_233 = arith.constant dense<0.000000e+00> : vector<1xf32>
    %reduce_sum3A_234 = vector.multi_reduction <add>, %reduce_sum3A_232, %reduce_sum3A_233 [1] : vector<1x128xf32> to vector<1xf32>
    %reduce_sum3A_235 = vector.shape_cast %reduce_sum3A_234 : vector<1xf32> to vector<1x1xf32>
    %reduce_sum3A_236 = vector.extract %reduce_sum3A_235[0, 0] : f32 from vector<1x1xf32>
    %add3A_237 = arith.addf %add3A_217, %reduce_sum3A_236 : f32
    %slice3A_238 = vector.extract_strided_slice %logistic3A_6 {offsets = [6, 0], sizes = [1, 256], strides = [1, 1]} : vector<32x256xf32> to vector<1x256xf32>
    %sub3A_239 = vector.broadcast %slice3A_238 : vector<1x256xf32> to vector<128x256xf32>
    %sub3A_240 = arith.subf %sub3A_239, %logistic3A_117 : vector<128x256xf32>
    %abs3A_241 = math.absf %sub3A_240 : vector<128x256xf32>
    %reduce_sum3A_242 = arith.constant dense<0.000000e+00> : vector<128xf32>
    %reduce_sum3A_243 = vector.multi_reduction <add>, %abs3A_241, %reduce_sum3A_242 [1] : vector<128x256xf32> to vector<128xf32>
    %neg3A_244 = arith.constant 0.000000e+00 : f32
    %neg3A_245 = vector.broadcast %neg3A_244 : f32 to vector<128xf32>
    %neg3A_246 = arith.subf %neg3A_245, %reduce_sum3A_243 : vector<128xf32>
    %exp3A_247 = math.exp %neg3A_246 : vector<128xf32>
    %log1p3A_248 = math.log1p %exp3A_247 : vector<128xf32>
    %neg3A_249 = arith.constant 0.000000e+00 : f32
    %neg3A_250 = vector.broadcast %neg3A_249 : f32 to vector<128xf32>
    %neg3A_251 = arith.subf %neg3A_250, %log1p3A_248 : vector<128xf32>
    %reduce_sum3A_252 = vector.shape_cast %neg3A_251 : vector<128xf32> to vector<1x128xf32>
    %reduce_sum3A_253 = arith.constant dense<0.000000e+00> : vector<1xf32>
    %reduce_sum3A_254 = vector.multi_reduction <add>, %reduce_sum3A_252, %reduce_sum3A_253 [1] : vector<1x128xf32> to vector<1xf32>
    %reduce_sum3A_255 = vector.shape_cast %reduce_sum3A_254 : vector<1xf32> to vector<1x1xf32>
    %reduce_sum3A_256 = vector.extract %reduce_sum3A_255[0, 0] : f32 from vector<1x1xf32>
    %add3A_257 = arith.addf %add3A_237, %reduce_sum3A_256 : f32
    %slice3A_258 = vector.extract_strided_slice %logistic3A_6 {offsets = [7, 0], sizes = [1, 256], strides = [1, 1]} : vector<32x256xf32> to vector<1x256xf32>
    %sub3A_259 = vector.broadcast %slice3A_258 : vector<1x256xf32> to vector<128x256xf32>
    %sub3A_260 = arith.subf %sub3A_259, %logistic3A_117 : vector<128x256xf32>
    %abs3A_261 = math.absf %sub3A_260 : vector<128x256xf32>
    %reduce_sum3A_262 = arith.constant dense<0.000000e+00> : vector<128xf32>
    %reduce_sum3A_263 = vector.multi_reduction <add>, %abs3A_261, %reduce_sum3A_262 [1] : vector<128x256xf32> to vector<128xf32>
    %neg3A_264 = arith.constant 0.000000e+00 : f32
    %neg3A_265 = vector.broadcast %neg3A_264 : f32 to vector<128xf32>
    %neg3A_266 = arith.subf %neg3A_265, %reduce_sum3A_263 : vector<128xf32>
    %exp3A_267 = math.exp %neg3A_266 : vector<128xf32>
    %log1p3A_268 = math.log1p %exp3A_267 : vector<128xf32>
    %neg3A_269 = arith.constant 0.000000e+00 : f32
    %neg3A_270 = vector.broadcast %neg3A_269 : f32 to vector<128xf32>
    %neg3A_271 = arith.subf %neg3A_270, %log1p3A_268 : vector<128xf32>
    %reduce_sum3A_272 = vector.shape_cast %neg3A_271 : vector<128xf32> to vector<1x128xf32>
    %reduce_sum3A_273 = arith.constant dense<0.000000e+00> : vector<1xf32>
    %reduce_sum3A_274 = vector.multi_reduction <add>, %reduce_sum3A_272, %reduce_sum3A_273 [1] : vector<1x128xf32> to vector<1xf32>
    %reduce_sum3A_275 = vector.shape_cast %reduce_sum3A_274 : vector<1xf32> to vector<1x1xf32>
    %reduce_sum3A_276 = vector.extract %reduce_sum3A_275[0, 0] : f32 from vector<1x1xf32>
    %add3A_277 = arith.addf %add3A_257, %reduce_sum3A_276 : f32
    %slice3A_278 = vector.extract_strided_slice %logistic3A_6 {offsets = [8, 0], sizes = [1, 256], strides = [1, 1]} : vector<32x256xf32> to vector<1x256xf32>
    %sub3A_279 = vector.broadcast %slice3A_278 : vector<1x256xf32> to vector<128x256xf32>
    %sub3A_280 = arith.subf %sub3A_279, %logistic3A_117 : vector<128x256xf32>
    %abs3A_281 = math.absf %sub3A_280 : vector<128x256xf32>
    %reduce_sum3A_282 = arith.constant dense<0.000000e+00> : vector<128xf32>
    %reduce_sum3A_283 = vector.multi_reduction <add>, %abs3A_281, %reduce_sum3A_282 [1] : vector<128x256xf32> to vector<128xf32>
    %neg3A_284 = arith.constant 0.000000e+00 : f32
    %neg3A_285 = vector.broadcast %neg3A_284 : f32 to vector<128xf32>
    %neg3A_286 = arith.subf %neg3A_285, %reduce_sum3A_283 : vector<128xf32>
    %exp3A_287 = math.exp %neg3A_286 : vector<128xf32>
    %log1p3A_288 = math.log1p %exp3A_287 : vector<128xf32>
    %neg3A_289 = arith.constant 0.000000e+00 : f32
    %neg3A_290 = vector.broadcast %neg3A_289 : f32 to vector<128xf32>
    %neg3A_291 = arith.subf %neg3A_290, %log1p3A_288 : vector<128xf32>
    %reduce_sum3A_292 = vector.shape_cast %neg3A_291 : vector<128xf32> to vector<1x128xf32>
    %reduce_sum3A_293 = arith.constant dense<0.000000e+00> : vector<1xf32>
    %reduce_sum3A_294 = vector.multi_reduction <add>, %reduce_sum3A_292, %reduce_sum3A_293 [1] : vector<1x128xf32> to vector<1xf32>
    %reduce_sum3A_295 = vector.shape_cast %reduce_sum3A_294 : vector<1xf32> to vector<1x1xf32>
    %reduce_sum3A_296 = vector.extract %reduce_sum3A_295[0, 0] : f32 from vector<1x1xf32>
    %add3A_297 = arith.addf %add3A_277, %reduce_sum3A_296 : f32
    %slice3A_298 = vector.extract_strided_slice %logistic3A_6 {offsets = [9, 0], sizes = [1, 256], strides = [1, 1]} : vector<32x256xf32> to vector<1x256xf32>
    %sub3A_299 = vector.broadcast %slice3A_298 : vector<1x256xf32> to vector<128x256xf32>
    %sub3A_300 = arith.subf %sub3A_299, %logistic3A_117 : vector<128x256xf32>
    %abs3A_301 = math.absf %sub3A_300 : vector<128x256xf32>
    %reduce_sum3A_302 = arith.constant dense<0.000000e+00> : vector<128xf32>
    %reduce_sum3A_303 = vector.multi_reduction <add>, %abs3A_301, %reduce_sum3A_302 [1] : vector<128x256xf32> to vector<128xf32>
    %neg3A_304 = arith.constant 0.000000e+00 : f32
    %neg3A_305 = vector.broadcast %neg3A_304 : f32 to vector<128xf32>
    %neg3A_306 = arith.subf %neg3A_305, %reduce_sum3A_303 : vector<128xf32>
    %exp3A_307 = math.exp %neg3A_306 : vector<128xf32>
    %log1p3A_308 = math.log1p %exp3A_307 : vector<128xf32>
    %neg3A_309 = arith.constant 0.000000e+00 : f32
    %neg3A_310 = vector.broadcast %neg3A_309 : f32 to vector<128xf32>
    %neg3A_311 = arith.subf %neg3A_310, %log1p3A_308 : vector<128xf32>
    %reduce_sum3A_312 = vector.shape_cast %neg3A_311 : vector<128xf32> to vector<1x128xf32>
    %reduce_sum3A_313 = arith.constant dense<0.000000e+00> : vector<1xf32>
    %reduce_sum3A_314 = vector.multi_reduction <add>, %reduce_sum3A_312, %reduce_sum3A_313 [1] : vector<1x128xf32> to vector<1xf32>
    %reduce_sum3A_315 = vector.shape_cast %reduce_sum3A_314 : vector<1xf32> to vector<1x1xf32>
    %reduce_sum3A_316 = vector.extract %reduce_sum3A_315[0, 0] : f32 from vector<1x1xf32>
    %add3A_317 = arith.addf %add3A_297, %reduce_sum3A_316 : f32
    %slice3A_318 = vector.extract_strided_slice %logistic3A_6 {offsets = [10, 0], sizes = [1, 256], strides = [1, 1]} : vector<32x256xf32> to vector<1x256xf32>
    %sub3A_319 = vector.broadcast %slice3A_318 : vector<1x256xf32> to vector<128x256xf32>
    %sub3A_320 = arith.subf %sub3A_319, %logistic3A_117 : vector<128x256xf32>
    %abs3A_321 = math.absf %sub3A_320 : vector<128x256xf32>
    %reduce_sum3A_322 = arith.constant dense<0.000000e+00> : vector<128xf32>
    %reduce_sum3A_323 = vector.multi_reduction <add>, %abs3A_321, %reduce_sum3A_322 [1] : vector<128x256xf32> to vector<128xf32>
    %neg3A_324 = arith.constant 0.000000e+00 : f32
    %neg3A_325 = vector.broadcast %neg3A_324 : f32 to vector<128xf32>
    %neg3A_326 = arith.subf %neg3A_325, %reduce_sum3A_323 : vector<128xf32>
    %exp3A_327 = math.exp %neg3A_326 : vector<128xf32>
    %log1p3A_328 = math.log1p %exp3A_327 : vector<128xf32>
    %neg3A_329 = arith.constant 0.000000e+00 : f32
    %neg3A_330 = vector.broadcast %neg3A_329 : f32 to vector<128xf32>
    %neg3A_331 = arith.subf %neg3A_330, %log1p3A_328 : vector<128xf32>
    %reduce_sum3A_332 = vector.shape_cast %neg3A_331 : vector<128xf32> to vector<1x128xf32>
    %reduce_sum3A_333 = arith.constant dense<0.000000e+00> : vector<1xf32>
    %reduce_sum3A_334 = vector.multi_reduction <add>, %reduce_sum3A_332, %reduce_sum3A_333 [1] : vector<1x128xf32> to vector<1xf32>
    %reduce_sum3A_335 = vector.shape_cast %reduce_sum3A_334 : vector<1xf32> to vector<1x1xf32>
    %reduce_sum3A_336 = vector.extract %reduce_sum3A_335[0, 0] : f32 from vector<1x1xf32>
    %add3A_337 = arith.addf %add3A_317, %reduce_sum3A_336 : f32
    %slice3A_338 = vector.extract_strided_slice %logistic3A_6 {offsets = [11, 0], sizes = [1, 256], strides = [1, 1]} : vector<32x256xf32> to vector<1x256xf32>
    %sub3A_339 = vector.broadcast %slice3A_338 : vector<1x256xf32> to vector<128x256xf32>
    %sub3A_340 = arith.subf %sub3A_339, %logistic3A_117 : vector<128x256xf32>
    %abs3A_341 = math.absf %sub3A_340 : vector<128x256xf32>
    %reduce_sum3A_342 = arith.constant dense<0.000000e+00> : vector<128xf32>
    %reduce_sum3A_343 = vector.multi_reduction <add>, %abs3A_341, %reduce_sum3A_342 [1] : vector<128x256xf32> to vector<128xf32>
    %neg3A_344 = arith.constant 0.000000e+00 : f32
    %neg3A_345 = vector.broadcast %neg3A_344 : f32 to vector<128xf32>
    %neg3A_346 = arith.subf %neg3A_345, %reduce_sum3A_343 : vector<128xf32>
    %exp3A_347 = math.exp %neg3A_346 : vector<128xf32>
    %log1p3A_348 = math.log1p %exp3A_347 : vector<128xf32>
    %neg3A_349 = arith.constant 0.000000e+00 : f32
    %neg3A_350 = vector.broadcast %neg3A_349 : f32 to vector<128xf32>
    %neg3A_351 = arith.subf %neg3A_350, %log1p3A_348 : vector<128xf32>
    %reduce_sum3A_352 = vector.shape_cast %neg3A_351 : vector<128xf32> to vector<1x128xf32>
    %reduce_sum3A_353 = arith.constant dense<0.000000e+00> : vector<1xf32>
    %reduce_sum3A_354 = vector.multi_reduction <add>, %reduce_sum3A_352, %reduce_sum3A_353 [1] : vector<1x128xf32> to vector<1xf32>
    %reduce_sum3A_355 = vector.shape_cast %reduce_sum3A_354 : vector<1xf32> to vector<1x1xf32>
    %reduce_sum3A_356 = vector.extract %reduce_sum3A_355[0, 0] : f32 from vector<1x1xf32>
    %add3A_357 = arith.addf %add3A_337, %reduce_sum3A_356 : f32
    %slice3A_358 = vector.extract_strided_slice %logistic3A_6 {offsets = [12, 0], sizes = [1, 256], strides = [1, 1]} : vector<32x256xf32> to vector<1x256xf32>
    %sub3A_359 = vector.broadcast %slice3A_358 : vector<1x256xf32> to vector<128x256xf32>
    %sub3A_360 = arith.subf %sub3A_359, %logistic3A_117 : vector<128x256xf32>
    %abs3A_361 = math.absf %sub3A_360 : vector<128x256xf32>
    %reduce_sum3A_362 = arith.constant dense<0.000000e+00> : vector<128xf32>
    %reduce_sum3A_363 = vector.multi_reduction <add>, %abs3A_361, %reduce_sum3A_362 [1] : vector<128x256xf32> to vector<128xf32>
    %neg3A_364 = arith.constant 0.000000e+00 : f32
    %neg3A_365 = vector.broadcast %neg3A_364 : f32 to vector<128xf32>
    %neg3A_366 = arith.subf %neg3A_365, %reduce_sum3A_363 : vector<128xf32>
    %exp3A_367 = math.exp %neg3A_366 : vector<128xf32>
    %log1p3A_368 = math.log1p %exp3A_367 : vector<128xf32>
    %neg3A_369 = arith.constant 0.000000e+00 : f32
    %neg3A_370 = vector.broadcast %neg3A_369 : f32 to vector<128xf32>
    %neg3A_371 = arith.subf %neg3A_370, %log1p3A_368 : vector<128xf32>
    %reduce_sum3A_372 = vector.shape_cast %neg3A_371 : vector<128xf32> to vector<1x128xf32>
    %reduce_sum3A_373 = arith.constant dense<0.000000e+00> : vector<1xf32>
    %reduce_sum3A_374 = vector.multi_reduction <add>, %reduce_sum3A_372, %reduce_sum3A_373 [1] : vector<1x128xf32> to vector<1xf32>
    %reduce_sum3A_375 = vector.shape_cast %reduce_sum3A_374 : vector<1xf32> to vector<1x1xf32>
    %reduce_sum3A_376 = vector.extract %reduce_sum3A_375[0, 0] : f32 from vector<1x1xf32>
    %add3A_377 = arith.addf %add3A_357, %reduce_sum3A_376 : f32
    %slice3A_378 = vector.extract_strided_slice %logistic3A_6 {offsets = [13, 0], sizes = [1, 256], strides = [1, 1]} : vector<32x256xf32> to vector<1x256xf32>
    %sub3A_379 = vector.broadcast %slice3A_378 : vector<1x256xf32> to vector<128x256xf32>
    %sub3A_380 = arith.subf %sub3A_379, %logistic3A_117 : vector<128x256xf32>
    %abs3A_381 = math.absf %sub3A_380 : vector<128x256xf32>
    %reduce_sum3A_382 = arith.constant dense<0.000000e+00> : vector<128xf32>
    %reduce_sum3A_383 = vector.multi_reduction <add>, %abs3A_381, %reduce_sum3A_382 [1] : vector<128x256xf32> to vector<128xf32>
    %neg3A_384 = arith.constant 0.000000e+00 : f32
    %neg3A_385 = vector.broadcast %neg3A_384 : f32 to vector<128xf32>
    %neg3A_386 = arith.subf %neg3A_385, %reduce_sum3A_383 : vector<128xf32>
    %exp3A_387 = math.exp %neg3A_386 : vector<128xf32>
    %log1p3A_388 = math.log1p %exp3A_387 : vector<128xf32>
    %neg3A_389 = arith.constant 0.000000e+00 : f32
    %neg3A_390 = vector.broadcast %neg3A_389 : f32 to vector<128xf32>
    %neg3A_391 = arith.subf %neg3A_390, %log1p3A_388 : vector<128xf32>
    %reduce_sum3A_392 = vector.shape_cast %neg3A_391 : vector<128xf32> to vector<1x128xf32>
    %reduce_sum3A_393 = arith.constant dense<0.000000e+00> : vector<1xf32>
    %reduce_sum3A_394 = vector.multi_reduction <add>, %reduce_sum3A_392, %reduce_sum3A_393 [1] : vector<1x128xf32> to vector<1xf32>
    %reduce_sum3A_395 = vector.shape_cast %reduce_sum3A_394 : vector<1xf32> to vector<1x1xf32>
    %reduce_sum3A_396 = vector.extract %reduce_sum3A_395[0, 0] : f32 from vector<1x1xf32>
    %add3A_397 = arith.addf %add3A_377, %reduce_sum3A_396 : f32
    %slice3A_398 = vector.extract_strided_slice %logistic3A_6 {offsets = [14, 0], sizes = [1, 256], strides = [1, 1]} : vector<32x256xf32> to vector<1x256xf32>
    %sub3A_399 = vector.broadcast %slice3A_398 : vector<1x256xf32> to vector<128x256xf32>
    %sub3A_400 = arith.subf %sub3A_399, %logistic3A_117 : vector<128x256xf32>
    %abs3A_401 = math.absf %sub3A_400 : vector<128x256xf32>
    %reduce_sum3A_402 = arith.constant dense<0.000000e+00> : vector<128xf32>
    %reduce_sum3A_403 = vector.multi_reduction <add>, %abs3A_401, %reduce_sum3A_402 [1] : vector<128x256xf32> to vector<128xf32>
    %neg3A_404 = arith.constant 0.000000e+00 : f32
    %neg3A_405 = vector.broadcast %neg3A_404 : f32 to vector<128xf32>
    %neg3A_406 = arith.subf %neg3A_405, %reduce_sum3A_403 : vector<128xf32>
    %exp3A_407 = math.exp %neg3A_406 : vector<128xf32>
    %log1p3A_408 = math.log1p %exp3A_407 : vector<128xf32>
    %neg3A_409 = arith.constant 0.000000e+00 : f32
    %neg3A_410 = vector.broadcast %neg3A_409 : f32 to vector<128xf32>
    %neg3A_411 = arith.subf %neg3A_410, %log1p3A_408 : vector<128xf32>
    %reduce_sum3A_412 = vector.shape_cast %neg3A_411 : vector<128xf32> to vector<1x128xf32>
    %reduce_sum3A_413 = arith.constant dense<0.000000e+00> : vector<1xf32>
    %reduce_sum3A_414 = vector.multi_reduction <add>, %reduce_sum3A_412, %reduce_sum3A_413 [1] : vector<1x128xf32> to vector<1xf32>
    %reduce_sum3A_415 = vector.shape_cast %reduce_sum3A_414 : vector<1xf32> to vector<1x1xf32>
    %reduce_sum3A_416 = vector.extract %reduce_sum3A_415[0, 0] : f32 from vector<1x1xf32>
    %add3A_417 = arith.addf %add3A_397, %reduce_sum3A_416 : f32
    %slice3A_418 = vector.extract_strided_slice %logistic3A_6 {offsets = [15, 0], sizes = [1, 256], strides = [1, 1]} : vector<32x256xf32> to vector<1x256xf32>
    %sub3A_419 = vector.broadcast %slice3A_418 : vector<1x256xf32> to vector<128x256xf32>
    %sub3A_420 = arith.subf %sub3A_419, %logistic3A_117 : vector<128x256xf32>
    %abs3A_421 = math.absf %sub3A_420 : vector<128x256xf32>
    %reduce_sum3A_422 = arith.constant dense<0.000000e+00> : vector<128xf32>
    %reduce_sum3A_423 = vector.multi_reduction <add>, %abs3A_421, %reduce_sum3A_422 [1] : vector<128x256xf32> to vector<128xf32>
    %neg3A_424 = arith.constant 0.000000e+00 : f32
    %neg3A_425 = vector.broadcast %neg3A_424 : f32 to vector<128xf32>
    %neg3A_426 = arith.subf %neg3A_425, %reduce_sum3A_423 : vector<128xf32>
    %exp3A_427 = math.exp %neg3A_426 : vector<128xf32>
    %log1p3A_428 = math.log1p %exp3A_427 : vector<128xf32>
    %neg3A_429 = arith.constant 0.000000e+00 : f32
    %neg3A_430 = vector.broadcast %neg3A_429 : f32 to vector<128xf32>
    %neg3A_431 = arith.subf %neg3A_430, %log1p3A_428 : vector<128xf32>
    %reduce_sum3A_432 = vector.shape_cast %neg3A_431 : vector<128xf32> to vector<1x128xf32>
    %reduce_sum3A_433 = arith.constant dense<0.000000e+00> : vector<1xf32>
    %reduce_sum3A_434 = vector.multi_reduction <add>, %reduce_sum3A_432, %reduce_sum3A_433 [1] : vector<1x128xf32> to vector<1xf32>
    %reduce_sum3A_435 = vector.shape_cast %reduce_sum3A_434 : vector<1xf32> to vector<1x1xf32>
    %reduce_sum3A_436 = vector.extract %reduce_sum3A_435[0, 0] : f32 from vector<1x1xf32>
    %add3A_437 = arith.addf %add3A_417, %reduce_sum3A_436 : f32
    %slice3A_438 = vector.extract_strided_slice %logistic3A_6 {offsets = [16, 0], sizes = [1, 256], strides = [1, 1]} : vector<32x256xf32> to vector<1x256xf32>
    %sub3A_439 = vector.broadcast %slice3A_438 : vector<1x256xf32> to vector<128x256xf32>
    %sub3A_440 = arith.subf %sub3A_439, %logistic3A_117 : vector<128x256xf32>
    %abs3A_441 = math.absf %sub3A_440 : vector<128x256xf32>
    %reduce_sum3A_442 = arith.constant dense<0.000000e+00> : vector<128xf32>
    %reduce_sum3A_443 = vector.multi_reduction <add>, %abs3A_441, %reduce_sum3A_442 [1] : vector<128x256xf32> to vector<128xf32>
    %neg3A_444 = arith.constant 0.000000e+00 : f32
    %neg3A_445 = vector.broadcast %neg3A_444 : f32 to vector<128xf32>
    %neg3A_446 = arith.subf %neg3A_445, %reduce_sum3A_443 : vector<128xf32>
    %exp3A_447 = math.exp %neg3A_446 : vector<128xf32>
    %log1p3A_448 = math.log1p %exp3A_447 : vector<128xf32>
    %neg3A_449 = arith.constant 0.000000e+00 : f32
    %neg3A_450 = vector.broadcast %neg3A_449 : f32 to vector<128xf32>
    %neg3A_451 = arith.subf %neg3A_450, %log1p3A_448 : vector<128xf32>
    %reduce_sum3A_452 = vector.shape_cast %neg3A_451 : vector<128xf32> to vector<1x128xf32>
    %reduce_sum3A_453 = arith.constant dense<0.000000e+00> : vector<1xf32>
    %reduce_sum3A_454 = vector.multi_reduction <add>, %reduce_sum3A_452, %reduce_sum3A_453 [1] : vector<1x128xf32> to vector<1xf32>
    %reduce_sum3A_455 = vector.shape_cast %reduce_sum3A_454 : vector<1xf32> to vector<1x1xf32>
    %reduce_sum3A_456 = vector.extract %reduce_sum3A_455[0, 0] : f32 from vector<1x1xf32>
    %add3A_457 = arith.addf %add3A_437, %reduce_sum3A_456 : f32
    %slice3A_458 = vector.extract_strided_slice %logistic3A_6 {offsets = [17, 0], sizes = [1, 256], strides = [1, 1]} : vector<32x256xf32> to vector<1x256xf32>
    %sub3A_459 = vector.broadcast %slice3A_458 : vector<1x256xf32> to vector<128x256xf32>
    %sub3A_460 = arith.subf %sub3A_459, %logistic3A_117 : vector<128x256xf32>
    %abs3A_461 = math.absf %sub3A_460 : vector<128x256xf32>
    %reduce_sum3A_462 = arith.constant dense<0.000000e+00> : vector<128xf32>
    %reduce_sum3A_463 = vector.multi_reduction <add>, %abs3A_461, %reduce_sum3A_462 [1] : vector<128x256xf32> to vector<128xf32>
    %neg3A_464 = arith.constant 0.000000e+00 : f32
    %neg3A_465 = vector.broadcast %neg3A_464 : f32 to vector<128xf32>
    %neg3A_466 = arith.subf %neg3A_465, %reduce_sum3A_463 : vector<128xf32>
    %exp3A_467 = math.exp %neg3A_466 : vector<128xf32>
    %log1p3A_468 = math.log1p %exp3A_467 : vector<128xf32>
    %neg3A_469 = arith.constant 0.000000e+00 : f32
    %neg3A_470 = vector.broadcast %neg3A_469 : f32 to vector<128xf32>
    %neg3A_471 = arith.subf %neg3A_470, %log1p3A_468 : vector<128xf32>
    %reduce_sum3A_472 = vector.shape_cast %neg3A_471 : vector<128xf32> to vector<1x128xf32>
    %reduce_sum3A_473 = arith.constant dense<0.000000e+00> : vector<1xf32>
    %reduce_sum3A_474 = vector.multi_reduction <add>, %reduce_sum3A_472, %reduce_sum3A_473 [1] : vector<1x128xf32> to vector<1xf32>
    %reduce_sum3A_475 = vector.shape_cast %reduce_sum3A_474 : vector<1xf32> to vector<1x1xf32>
    %reduce_sum3A_476 = vector.extract %reduce_sum3A_475[0, 0] : f32 from vector<1x1xf32>
    %add3A_477 = arith.addf %add3A_457, %reduce_sum3A_476 : f32
    %slice3A_478 = vector.extract_strided_slice %logistic3A_6 {offsets = [18, 0], sizes = [1, 256], strides = [1, 1]} : vector<32x256xf32> to vector<1x256xf32>
    %sub3A_479 = vector.broadcast %slice3A_478 : vector<1x256xf32> to vector<128x256xf32>
    %sub3A_480 = arith.subf %sub3A_479, %logistic3A_117 : vector<128x256xf32>
    %abs3A_481 = math.absf %sub3A_480 : vector<128x256xf32>
    %reduce_sum3A_482 = arith.constant dense<0.000000e+00> : vector<128xf32>
    %reduce_sum3A_483 = vector.multi_reduction <add>, %abs3A_481, %reduce_sum3A_482 [1] : vector<128x256xf32> to vector<128xf32>
    %neg3A_484 = arith.constant 0.000000e+00 : f32
    %neg3A_485 = vector.broadcast %neg3A_484 : f32 to vector<128xf32>
    %neg3A_486 = arith.subf %neg3A_485, %reduce_sum3A_483 : vector<128xf32>
    %exp3A_487 = math.exp %neg3A_486 : vector<128xf32>
    %log1p3A_488 = math.log1p %exp3A_487 : vector<128xf32>
    %neg3A_489 = arith.constant 0.000000e+00 : f32
    %neg3A_490 = vector.broadcast %neg3A_489 : f32 to vector<128xf32>
    %neg3A_491 = arith.subf %neg3A_490, %log1p3A_488 : vector<128xf32>
    %reduce_sum3A_492 = vector.shape_cast %neg3A_491 : vector<128xf32> to vector<1x128xf32>
    %reduce_sum3A_493 = arith.constant dense<0.000000e+00> : vector<1xf32>
    %reduce_sum3A_494 = vector.multi_reduction <add>, %reduce_sum3A_492, %reduce_sum3A_493 [1] : vector<1x128xf32> to vector<1xf32>
    %reduce_sum3A_495 = vector.shape_cast %reduce_sum3A_494 : vector<1xf32> to vector<1x1xf32>
    %reduce_sum3A_496 = vector.extract %reduce_sum3A_495[0, 0] : f32 from vector<1x1xf32>
    %add3A_497 = arith.addf %add3A_477, %reduce_sum3A_496 : f32
    %slice3A_498 = vector.extract_strided_slice %logistic3A_6 {offsets = [19, 0], sizes = [1, 256], strides = [1, 1]} : vector<32x256xf32> to vector<1x256xf32>
    %sub3A_499 = vector.broadcast %slice3A_498 : vector<1x256xf32> to vector<128x256xf32>
    %sub3A_500 = arith.subf %sub3A_499, %logistic3A_117 : vector<128x256xf32>
    %abs3A_501 = math.absf %sub3A_500 : vector<128x256xf32>
    %reduce_sum3A_502 = arith.constant dense<0.000000e+00> : vector<128xf32>
    %reduce_sum3A_503 = vector.multi_reduction <add>, %abs3A_501, %reduce_sum3A_502 [1] : vector<128x256xf32> to vector<128xf32>
    %neg3A_504 = arith.constant 0.000000e+00 : f32
    %neg3A_505 = vector.broadcast %neg3A_504 : f32 to vector<128xf32>
    %neg3A_506 = arith.subf %neg3A_505, %reduce_sum3A_503 : vector<128xf32>
    %exp3A_507 = math.exp %neg3A_506 : vector<128xf32>
    %log1p3A_508 = math.log1p %exp3A_507 : vector<128xf32>
    %neg3A_509 = arith.constant 0.000000e+00 : f32
    %neg3A_510 = vector.broadcast %neg3A_509 : f32 to vector<128xf32>
    %neg3A_511 = arith.subf %neg3A_510, %log1p3A_508 : vector<128xf32>
    %reduce_sum3A_512 = vector.shape_cast %neg3A_511 : vector<128xf32> to vector<1x128xf32>
    %reduce_sum3A_513 = arith.constant dense<0.000000e+00> : vector<1xf32>
    %reduce_sum3A_514 = vector.multi_reduction <add>, %reduce_sum3A_512, %reduce_sum3A_513 [1] : vector<1x128xf32> to vector<1xf32>
    %reduce_sum3A_515 = vector.shape_cast %reduce_sum3A_514 : vector<1xf32> to vector<1x1xf32>
    %reduce_sum3A_516 = vector.extract %reduce_sum3A_515[0, 0] : f32 from vector<1x1xf32>
    %add3A_517 = arith.addf %add3A_497, %reduce_sum3A_516 : f32
    %slice3A_518 = vector.extract_strided_slice %logistic3A_6 {offsets = [20, 0], sizes = [1, 256], strides = [1, 1]} : vector<32x256xf32> to vector<1x256xf32>
    %sub3A_519 = vector.broadcast %slice3A_518 : vector<1x256xf32> to vector<128x256xf32>
    %sub3A_520 = arith.subf %sub3A_519, %logistic3A_117 : vector<128x256xf32>
    %abs3A_521 = math.absf %sub3A_520 : vector<128x256xf32>
    %reduce_sum3A_522 = arith.constant dense<0.000000e+00> : vector<128xf32>
    %reduce_sum3A_523 = vector.multi_reduction <add>, %abs3A_521, %reduce_sum3A_522 [1] : vector<128x256xf32> to vector<128xf32>
    %neg3A_524 = arith.constant 0.000000e+00 : f32
    %neg3A_525 = vector.broadcast %neg3A_524 : f32 to vector<128xf32>
    %neg3A_526 = arith.subf %neg3A_525, %reduce_sum3A_523 : vector<128xf32>
    %exp3A_527 = math.exp %neg3A_526 : vector<128xf32>
    %log1p3A_528 = math.log1p %exp3A_527 : vector<128xf32>
    %neg3A_529 = arith.constant 0.000000e+00 : f32
    %neg3A_530 = vector.broadcast %neg3A_529 : f32 to vector<128xf32>
    %neg3A_531 = arith.subf %neg3A_530, %log1p3A_528 : vector<128xf32>
    %reduce_sum3A_532 = vector.shape_cast %neg3A_531 : vector<128xf32> to vector<1x128xf32>
    %reduce_sum3A_533 = arith.constant dense<0.000000e+00> : vector<1xf32>
    %reduce_sum3A_534 = vector.multi_reduction <add>, %reduce_sum3A_532, %reduce_sum3A_533 [1] : vector<1x128xf32> to vector<1xf32>
    %reduce_sum3A_535 = vector.shape_cast %reduce_sum3A_534 : vector<1xf32> to vector<1x1xf32>
    %reduce_sum3A_536 = vector.extract %reduce_sum3A_535[0, 0] : f32 from vector<1x1xf32>
    %add3A_537 = arith.addf %add3A_517, %reduce_sum3A_536 : f32
    %slice3A_538 = vector.extract_strided_slice %logistic3A_6 {offsets = [21, 0], sizes = [1, 256], strides = [1, 1]} : vector<32x256xf32> to vector<1x256xf32>
    %sub3A_539 = vector.broadcast %slice3A_538 : vector<1x256xf32> to vector<128x256xf32>
    %sub3A_540 = arith.subf %sub3A_539, %logistic3A_117 : vector<128x256xf32>
    %abs3A_541 = math.absf %sub3A_540 : vector<128x256xf32>
    %reduce_sum3A_542 = arith.constant dense<0.000000e+00> : vector<128xf32>
    %reduce_sum3A_543 = vector.multi_reduction <add>, %abs3A_541, %reduce_sum3A_542 [1] : vector<128x256xf32> to vector<128xf32>
    %neg3A_544 = arith.constant 0.000000e+00 : f32
    %neg3A_545 = vector.broadcast %neg3A_544 : f32 to vector<128xf32>
    %neg3A_546 = arith.subf %neg3A_545, %reduce_sum3A_543 : vector<128xf32>
    %exp3A_547 = math.exp %neg3A_546 : vector<128xf32>
    %log1p3A_548 = math.log1p %exp3A_547 : vector<128xf32>
    %neg3A_549 = arith.constant 0.000000e+00 : f32
    %neg3A_550 = vector.broadcast %neg3A_549 : f32 to vector<128xf32>
    %neg3A_551 = arith.subf %neg3A_550, %log1p3A_548 : vector<128xf32>
    %reduce_sum3A_552 = vector.shape_cast %neg3A_551 : vector<128xf32> to vector<1x128xf32>
    %reduce_sum3A_553 = arith.constant dense<0.000000e+00> : vector<1xf32>
    %reduce_sum3A_554 = vector.multi_reduction <add>, %reduce_sum3A_552, %reduce_sum3A_553 [1] : vector<1x128xf32> to vector<1xf32>
    %reduce_sum3A_555 = vector.shape_cast %reduce_sum3A_554 : vector<1xf32> to vector<1x1xf32>
    %reduce_sum3A_556 = vector.extract %reduce_sum3A_555[0, 0] : f32 from vector<1x1xf32>
    %add3A_557 = arith.addf %add3A_537, %reduce_sum3A_556 : f32
    %slice3A_558 = vector.extract_strided_slice %logistic3A_6 {offsets = [22, 0], sizes = [1, 256], strides = [1, 1]} : vector<32x256xf32> to vector<1x256xf32>
    %sub3A_559 = vector.broadcast %slice3A_558 : vector<1x256xf32> to vector<128x256xf32>
    %sub3A_560 = arith.subf %sub3A_559, %logistic3A_117 : vector<128x256xf32>
    %abs3A_561 = math.absf %sub3A_560 : vector<128x256xf32>
    %reduce_sum3A_562 = arith.constant dense<0.000000e+00> : vector<128xf32>
    %reduce_sum3A_563 = vector.multi_reduction <add>, %abs3A_561, %reduce_sum3A_562 [1] : vector<128x256xf32> to vector<128xf32>
    %neg3A_564 = arith.constant 0.000000e+00 : f32
    %neg3A_565 = vector.broadcast %neg3A_564 : f32 to vector<128xf32>
    %neg3A_566 = arith.subf %neg3A_565, %reduce_sum3A_563 : vector<128xf32>
    %exp3A_567 = math.exp %neg3A_566 : vector<128xf32>
    %log1p3A_568 = math.log1p %exp3A_567 : vector<128xf32>
    %neg3A_569 = arith.constant 0.000000e+00 : f32
    %neg3A_570 = vector.broadcast %neg3A_569 : f32 to vector<128xf32>
    %neg3A_571 = arith.subf %neg3A_570, %log1p3A_568 : vector<128xf32>
    %reduce_sum3A_572 = vector.shape_cast %neg3A_571 : vector<128xf32> to vector<1x128xf32>
    %reduce_sum3A_573 = arith.constant dense<0.000000e+00> : vector<1xf32>
    %reduce_sum3A_574 = vector.multi_reduction <add>, %reduce_sum3A_572, %reduce_sum3A_573 [1] : vector<1x128xf32> to vector<1xf32>
    %reduce_sum3A_575 = vector.shape_cast %reduce_sum3A_574 : vector<1xf32> to vector<1x1xf32>
    %reduce_sum3A_576 = vector.extract %reduce_sum3A_575[0, 0] : f32 from vector<1x1xf32>
    %add3A_577 = arith.addf %add3A_557, %reduce_sum3A_576 : f32
    %slice3A_578 = vector.extract_strided_slice %logistic3A_6 {offsets = [23, 0], sizes = [1, 256], strides = [1, 1]} : vector<32x256xf32> to vector<1x256xf32>
    %sub3A_579 = vector.broadcast %slice3A_578 : vector<1x256xf32> to vector<128x256xf32>
    %sub3A_580 = arith.subf %sub3A_579, %logistic3A_117 : vector<128x256xf32>
    %abs3A_581 = math.absf %sub3A_580 : vector<128x256xf32>
    %reduce_sum3A_582 = arith.constant dense<0.000000e+00> : vector<128xf32>
    %reduce_sum3A_583 = vector.multi_reduction <add>, %abs3A_581, %reduce_sum3A_582 [1] : vector<128x256xf32> to vector<128xf32>
    %neg3A_584 = arith.constant 0.000000e+00 : f32
    %neg3A_585 = vector.broadcast %neg3A_584 : f32 to vector<128xf32>
    %neg3A_586 = arith.subf %neg3A_585, %reduce_sum3A_583 : vector<128xf32>
    %exp3A_587 = math.exp %neg3A_586 : vector<128xf32>
    %log1p3A_588 = math.log1p %exp3A_587 : vector<128xf32>
    %neg3A_589 = arith.constant 0.000000e+00 : f32
    %neg3A_590 = vector.broadcast %neg3A_589 : f32 to vector<128xf32>
    %neg3A_591 = arith.subf %neg3A_590, %log1p3A_588 : vector<128xf32>
    %reduce_sum3A_592 = vector.shape_cast %neg3A_591 : vector<128xf32> to vector<1x128xf32>
    %reduce_sum3A_593 = arith.constant dense<0.000000e+00> : vector<1xf32>
    %reduce_sum3A_594 = vector.multi_reduction <add>, %reduce_sum3A_592, %reduce_sum3A_593 [1] : vector<1x128xf32> to vector<1xf32>
    %reduce_sum3A_595 = vector.shape_cast %reduce_sum3A_594 : vector<1xf32> to vector<1x1xf32>
    %reduce_sum3A_596 = vector.extract %reduce_sum3A_595[0, 0] : f32 from vector<1x1xf32>
    %add3A_597 = arith.addf %add3A_577, %reduce_sum3A_596 : f32
    %slice3A_598 = vector.extract_strided_slice %logistic3A_6 {offsets = [24, 0], sizes = [1, 256], strides = [1, 1]} : vector<32x256xf32> to vector<1x256xf32>
    %sub3A_599 = vector.broadcast %slice3A_598 : vector<1x256xf32> to vector<128x256xf32>
    %sub3A_600 = arith.subf %sub3A_599, %logistic3A_117 : vector<128x256xf32>
    %abs3A_601 = math.absf %sub3A_600 : vector<128x256xf32>
    %reduce_sum3A_602 = arith.constant dense<0.000000e+00> : vector<128xf32>
    %reduce_sum3A_603 = vector.multi_reduction <add>, %abs3A_601, %reduce_sum3A_602 [1] : vector<128x256xf32> to vector<128xf32>
    %neg3A_604 = arith.constant 0.000000e+00 : f32
    %neg3A_605 = vector.broadcast %neg3A_604 : f32 to vector<128xf32>
    %neg3A_606 = arith.subf %neg3A_605, %reduce_sum3A_603 : vector<128xf32>
    %exp3A_607 = math.exp %neg3A_606 : vector<128xf32>
    %log1p3A_608 = math.log1p %exp3A_607 : vector<128xf32>
    %neg3A_609 = arith.constant 0.000000e+00 : f32
    %neg3A_610 = vector.broadcast %neg3A_609 : f32 to vector<128xf32>
    %neg3A_611 = arith.subf %neg3A_610, %log1p3A_608 : vector<128xf32>
    %reduce_sum3A_612 = vector.shape_cast %neg3A_611 : vector<128xf32> to vector<1x128xf32>
    %reduce_sum3A_613 = arith.constant dense<0.000000e+00> : vector<1xf32>
    %reduce_sum3A_614 = vector.multi_reduction <add>, %reduce_sum3A_612, %reduce_sum3A_613 [1] : vector<1x128xf32> to vector<1xf32>
    %reduce_sum3A_615 = vector.shape_cast %reduce_sum3A_614 : vector<1xf32> to vector<1x1xf32>
    %reduce_sum3A_616 = vector.extract %reduce_sum3A_615[0, 0] : f32 from vector<1x1xf32>
    %add3A_617 = arith.addf %add3A_597, %reduce_sum3A_616 : f32
    %slice3A_618 = vector.extract_strided_slice %logistic3A_6 {offsets = [25, 0], sizes = [1, 256], strides = [1, 1]} : vector<32x256xf32> to vector<1x256xf32>
    %sub3A_619 = vector.broadcast %slice3A_618 : vector<1x256xf32> to vector<128x256xf32>
    %sub3A_620 = arith.subf %sub3A_619, %logistic3A_117 : vector<128x256xf32>
    %abs3A_621 = math.absf %sub3A_620 : vector<128x256xf32>
    %reduce_sum3A_622 = arith.constant dense<0.000000e+00> : vector<128xf32>
    %reduce_sum3A_623 = vector.multi_reduction <add>, %abs3A_621, %reduce_sum3A_622 [1] : vector<128x256xf32> to vector<128xf32>
    %neg3A_624 = arith.constant 0.000000e+00 : f32
    %neg3A_625 = vector.broadcast %neg3A_624 : f32 to vector<128xf32>
    %neg3A_626 = arith.subf %neg3A_625, %reduce_sum3A_623 : vector<128xf32>
    %exp3A_627 = math.exp %neg3A_626 : vector<128xf32>
    %log1p3A_628 = math.log1p %exp3A_627 : vector<128xf32>
    %neg3A_629 = arith.constant 0.000000e+00 : f32
    %neg3A_630 = vector.broadcast %neg3A_629 : f32 to vector<128xf32>
    %neg3A_631 = arith.subf %neg3A_630, %log1p3A_628 : vector<128xf32>
    %reduce_sum3A_632 = vector.shape_cast %neg3A_631 : vector<128xf32> to vector<1x128xf32>
    %reduce_sum3A_633 = arith.constant dense<0.000000e+00> : vector<1xf32>
    %reduce_sum3A_634 = vector.multi_reduction <add>, %reduce_sum3A_632, %reduce_sum3A_633 [1] : vector<1x128xf32> to vector<1xf32>
    %reduce_sum3A_635 = vector.shape_cast %reduce_sum3A_634 : vector<1xf32> to vector<1x1xf32>
    %reduce_sum3A_636 = vector.extract %reduce_sum3A_635[0, 0] : f32 from vector<1x1xf32>
    %add3A_637 = arith.addf %add3A_617, %reduce_sum3A_636 : f32
    %slice3A_638 = vector.extract_strided_slice %logistic3A_6 {offsets = [26, 0], sizes = [1, 256], strides = [1, 1]} : vector<32x256xf32> to vector<1x256xf32>
    %sub3A_639 = vector.broadcast %slice3A_638 : vector<1x256xf32> to vector<128x256xf32>
    %sub3A_640 = arith.subf %sub3A_639, %logistic3A_117 : vector<128x256xf32>
    %abs3A_641 = math.absf %sub3A_640 : vector<128x256xf32>
    %reduce_sum3A_642 = arith.constant dense<0.000000e+00> : vector<128xf32>
    %reduce_sum3A_643 = vector.multi_reduction <add>, %abs3A_641, %reduce_sum3A_642 [1] : vector<128x256xf32> to vector<128xf32>
    %neg3A_644 = arith.constant 0.000000e+00 : f32
    %neg3A_645 = vector.broadcast %neg3A_644 : f32 to vector<128xf32>
    %neg3A_646 = arith.subf %neg3A_645, %reduce_sum3A_643 : vector<128xf32>
    %exp3A_647 = math.exp %neg3A_646 : vector<128xf32>
    %log1p3A_648 = math.log1p %exp3A_647 : vector<128xf32>
    %neg3A_649 = arith.constant 0.000000e+00 : f32
    %neg3A_650 = vector.broadcast %neg3A_649 : f32 to vector<128xf32>
    %neg3A_651 = arith.subf %neg3A_650, %log1p3A_648 : vector<128xf32>
    %reduce_sum3A_652 = vector.shape_cast %neg3A_651 : vector<128xf32> to vector<1x128xf32>
    %reduce_sum3A_653 = arith.constant dense<0.000000e+00> : vector<1xf32>
    %reduce_sum3A_654 = vector.multi_reduction <add>, %reduce_sum3A_652, %reduce_sum3A_653 [1] : vector<1x128xf32> to vector<1xf32>
    %reduce_sum3A_655 = vector.shape_cast %reduce_sum3A_654 : vector<1xf32> to vector<1x1xf32>
    %reduce_sum3A_656 = vector.extract %reduce_sum3A_655[0, 0] : f32 from vector<1x1xf32>
    %add3A_657 = arith.addf %add3A_637, %reduce_sum3A_656 : f32
    %slice3A_658 = vector.extract_strided_slice %logistic3A_6 {offsets = [27, 0], sizes = [1, 256], strides = [1, 1]} : vector<32x256xf32> to vector<1x256xf32>
    %sub3A_659 = vector.broadcast %slice3A_658 : vector<1x256xf32> to vector<128x256xf32>
    %sub3A_660 = arith.subf %sub3A_659, %logistic3A_117 : vector<128x256xf32>
    %abs3A_661 = math.absf %sub3A_660 : vector<128x256xf32>
    %reduce_sum3A_662 = arith.constant dense<0.000000e+00> : vector<128xf32>
    %reduce_sum3A_663 = vector.multi_reduction <add>, %abs3A_661, %reduce_sum3A_662 [1] : vector<128x256xf32> to vector<128xf32>
    %neg3A_664 = arith.constant 0.000000e+00 : f32
    %neg3A_665 = vector.broadcast %neg3A_664 : f32 to vector<128xf32>
    %neg3A_666 = arith.subf %neg3A_665, %reduce_sum3A_663 : vector<128xf32>
    %exp3A_667 = math.exp %neg3A_666 : vector<128xf32>
    %log1p3A_668 = math.log1p %exp3A_667 : vector<128xf32>
    %neg3A_669 = arith.constant 0.000000e+00 : f32
    %neg3A_670 = vector.broadcast %neg3A_669 : f32 to vector<128xf32>
    %neg3A_671 = arith.subf %neg3A_670, %log1p3A_668 : vector<128xf32>
    %reduce_sum3A_672 = vector.shape_cast %neg3A_671 : vector<128xf32> to vector<1x128xf32>
    %reduce_sum3A_673 = arith.constant dense<0.000000e+00> : vector<1xf32>
    %reduce_sum3A_674 = vector.multi_reduction <add>, %reduce_sum3A_672, %reduce_sum3A_673 [1] : vector<1x128xf32> to vector<1xf32>
    %reduce_sum3A_675 = vector.shape_cast %reduce_sum3A_674 : vector<1xf32> to vector<1x1xf32>
    %reduce_sum3A_676 = vector.extract %reduce_sum3A_675[0, 0] : f32 from vector<1x1xf32>
    %add3A_677 = arith.addf %add3A_657, %reduce_sum3A_676 : f32
    %slice3A_678 = vector.extract_strided_slice %logistic3A_6 {offsets = [28, 0], sizes = [1, 256], strides = [1, 1]} : vector<32x256xf32> to vector<1x256xf32>
    %sub3A_679 = vector.broadcast %slice3A_678 : vector<1x256xf32> to vector<128x256xf32>
    %sub3A_680 = arith.subf %sub3A_679, %logistic3A_117 : vector<128x256xf32>
    %abs3A_681 = math.absf %sub3A_680 : vector<128x256xf32>
    %reduce_sum3A_682 = arith.constant dense<0.000000e+00> : vector<128xf32>
    %reduce_sum3A_683 = vector.multi_reduction <add>, %abs3A_681, %reduce_sum3A_682 [1] : vector<128x256xf32> to vector<128xf32>
    %neg3A_684 = arith.constant 0.000000e+00 : f32
    %neg3A_685 = vector.broadcast %neg3A_684 : f32 to vector<128xf32>
    %neg3A_686 = arith.subf %neg3A_685, %reduce_sum3A_683 : vector<128xf32>
    %exp3A_687 = math.exp %neg3A_686 : vector<128xf32>
    %log1p3A_688 = math.log1p %exp3A_687 : vector<128xf32>
    %neg3A_689 = arith.constant 0.000000e+00 : f32
    %neg3A_690 = vector.broadcast %neg3A_689 : f32 to vector<128xf32>
    %neg3A_691 = arith.subf %neg3A_690, %log1p3A_688 : vector<128xf32>
    %reduce_sum3A_692 = vector.shape_cast %neg3A_691 : vector<128xf32> to vector<1x128xf32>
    %reduce_sum3A_693 = arith.constant dense<0.000000e+00> : vector<1xf32>
    %reduce_sum3A_694 = vector.multi_reduction <add>, %reduce_sum3A_692, %reduce_sum3A_693 [1] : vector<1x128xf32> to vector<1xf32>
    %reduce_sum3A_695 = vector.shape_cast %reduce_sum3A_694 : vector<1xf32> to vector<1x1xf32>
    %reduce_sum3A_696 = vector.extract %reduce_sum3A_695[0, 0] : f32 from vector<1x1xf32>
    %add3A_697 = arith.addf %add3A_677, %reduce_sum3A_696 : f32
    %slice3A_698 = vector.extract_strided_slice %logistic3A_6 {offsets = [29, 0], sizes = [1, 256], strides = [1, 1]} : vector<32x256xf32> to vector<1x256xf32>
    %sub3A_699 = vector.broadcast %slice3A_698 : vector<1x256xf32> to vector<128x256xf32>
    %sub3A_700 = arith.subf %sub3A_699, %logistic3A_117 : vector<128x256xf32>
    %abs3A_701 = math.absf %sub3A_700 : vector<128x256xf32>
    %reduce_sum3A_702 = arith.constant dense<0.000000e+00> : vector<128xf32>
    %reduce_sum3A_703 = vector.multi_reduction <add>, %abs3A_701, %reduce_sum3A_702 [1] : vector<128x256xf32> to vector<128xf32>
    %neg3A_704 = arith.constant 0.000000e+00 : f32
    %neg3A_705 = vector.broadcast %neg3A_704 : f32 to vector<128xf32>
    %neg3A_706 = arith.subf %neg3A_705, %reduce_sum3A_703 : vector<128xf32>
    %exp3A_707 = math.exp %neg3A_706 : vector<128xf32>
    %log1p3A_708 = math.log1p %exp3A_707 : vector<128xf32>
    %neg3A_709 = arith.constant 0.000000e+00 : f32
    %neg3A_710 = vector.broadcast %neg3A_709 : f32 to vector<128xf32>
    %neg3A_711 = arith.subf %neg3A_710, %log1p3A_708 : vector<128xf32>
    %reduce_sum3A_712 = vector.shape_cast %neg3A_711 : vector<128xf32> to vector<1x128xf32>
    %reduce_sum3A_713 = arith.constant dense<0.000000e+00> : vector<1xf32>
    %reduce_sum3A_714 = vector.multi_reduction <add>, %reduce_sum3A_712, %reduce_sum3A_713 [1] : vector<1x128xf32> to vector<1xf32>
    %reduce_sum3A_715 = vector.shape_cast %reduce_sum3A_714 : vector<1xf32> to vector<1x1xf32>
    %reduce_sum3A_716 = vector.extract %reduce_sum3A_715[0, 0] : f32 from vector<1x1xf32>
    %add3A_717 = arith.addf %add3A_697, %reduce_sum3A_716 : f32
    %slice3A_718 = vector.extract_strided_slice %logistic3A_6 {offsets = [30, 0], sizes = [1, 256], strides = [1, 1]} : vector<32x256xf32> to vector<1x256xf32>
    %sub3A_719 = vector.broadcast %slice3A_718 : vector<1x256xf32> to vector<128x256xf32>
    %sub3A_720 = arith.subf %sub3A_719, %logistic3A_117 : vector<128x256xf32>
    %abs3A_721 = math.absf %sub3A_720 : vector<128x256xf32>
    %reduce_sum3A_722 = arith.constant dense<0.000000e+00> : vector<128xf32>
    %reduce_sum3A_723 = vector.multi_reduction <add>, %abs3A_721, %reduce_sum3A_722 [1] : vector<128x256xf32> to vector<128xf32>
    %neg3A_724 = arith.constant 0.000000e+00 : f32
    %neg3A_725 = vector.broadcast %neg3A_724 : f32 to vector<128xf32>
    %neg3A_726 = arith.subf %neg3A_725, %reduce_sum3A_723 : vector<128xf32>
    %exp3A_727 = math.exp %neg3A_726 : vector<128xf32>
    %log1p3A_728 = math.log1p %exp3A_727 : vector<128xf32>
    %neg3A_729 = arith.constant 0.000000e+00 : f32
    %neg3A_730 = vector.broadcast %neg3A_729 : f32 to vector<128xf32>
    %neg3A_731 = arith.subf %neg3A_730, %log1p3A_728 : vector<128xf32>
    %reduce_sum3A_732 = vector.shape_cast %neg3A_731 : vector<128xf32> to vector<1x128xf32>
    %reduce_sum3A_733 = arith.constant dense<0.000000e+00> : vector<1xf32>
    %reduce_sum3A_734 = vector.multi_reduction <add>, %reduce_sum3A_732, %reduce_sum3A_733 [1] : vector<1x128xf32> to vector<1xf32>
    %reduce_sum3A_735 = vector.shape_cast %reduce_sum3A_734 : vector<1xf32> to vector<1x1xf32>
    %reduce_sum3A_736 = vector.extract %reduce_sum3A_735[0, 0] : f32 from vector<1x1xf32>
    %add3A_737 = arith.addf %add3A_717, %reduce_sum3A_736 : f32
    %slice3A_738 = vector.extract_strided_slice %logistic3A_6 {offsets = [31, 0], sizes = [1, 256], strides = [1, 1]} : vector<32x256xf32> to vector<1x256xf32>
    %sub3A_739 = vector.broadcast %slice3A_738 : vector<1x256xf32> to vector<128x256xf32>
    %sub3A_740 = arith.subf %sub3A_739, %logistic3A_117 : vector<128x256xf32>
    %abs3A_741 = math.absf %sub3A_740 : vector<128x256xf32>
    %reduce_sum3A_742 = arith.constant dense<0.000000e+00> : vector<128xf32>
    %reduce_sum3A_743 = vector.multi_reduction <add>, %abs3A_741, %reduce_sum3A_742 [1] : vector<128x256xf32> to vector<128xf32>
    %neg3A_744 = arith.constant 0.000000e+00 : f32
    %neg3A_745 = vector.broadcast %neg3A_744 : f32 to vector<128xf32>
    %neg3A_746 = arith.subf %neg3A_745, %reduce_sum3A_743 : vector<128xf32>
    %exp3A_747 = math.exp %neg3A_746 : vector<128xf32>
    %log1p3A_748 = math.log1p %exp3A_747 : vector<128xf32>
    %neg3A_749 = arith.constant 0.000000e+00 : f32
    %neg3A_750 = vector.broadcast %neg3A_749 : f32 to vector<128xf32>
    %neg3A_751 = arith.subf %neg3A_750, %log1p3A_748 : vector<128xf32>
    %reduce_sum3A_752 = vector.shape_cast %neg3A_751 : vector<128xf32> to vector<1x128xf32>
    %reduce_sum3A_753 = arith.constant dense<0.000000e+00> : vector<1xf32>
    %reduce_sum3A_754 = vector.multi_reduction <add>, %reduce_sum3A_752, %reduce_sum3A_753 [1] : vector<1x128xf32> to vector<1xf32>
    %reduce_sum3A_755 = vector.shape_cast %reduce_sum3A_754 : vector<1xf32> to vector<1x1xf32>
    %reduce_sum3A_756 = vector.extract %reduce_sum3A_755[0, 0] : f32 from vector<1x1xf32>
    %add3A_757 = arith.addf %add3A_737, %reduce_sum3A_756 : f32
    %mul3A = arith.constant 2.500000e-01 : f32
    %mul3A_758 = arith.mulf %add3A_108, %mul3A : f32
    %sub3A_759 = arith.subf %add3A_757, %mul3A_758 : f32
    %swap3A = arith.constant 0 : index
    %swap3A_760 = memref.load %arg1[%swap3A] : memref<1xf32, #tpu.memory_space<smem>>
    memref.store %sub3A_759, %arg1[%swap3A] : memref<1xf32, #tpu.memory_space<smem>>
    %get3A_761 = arith.constant 288 : index
    %get3A_762 = arith.constant 0 : index
    %get3A_763 = vector.load %arg0[%get3A_761, %get3A_762] : memref<768x256xf32, #tpu.memory_space<vmem>>, vector<32x256xf32>
    %logistic3A_764 = arith.negf %get3A_763 : vector<32x256xf32>
    %logistic3A_765 = math.exp %logistic3A_764 : vector<32x256xf32>
    %logistic3A_766 = arith.constant 1.000000e+00 : f32
    %logistic3A_767 = vector.broadcast %logistic3A_766 : f32 to vector<32x256xf32>
    %logistic3A_768 = arith.addf %logistic3A_767, %logistic3A_765 : vector<32x256xf32>
    %logistic3A_769 = arith.divf %logistic3A_767, %logistic3A_768 : vector<32x256xf32>
    %sub3A_770 = arith.subf %logistic3A_6, %logistic3A_769 : vector<32x256xf32>
    %abs3A_771 = math.absf %sub3A_770 : vector<32x256xf32>
    %reduce_sum3A_772 = arith.constant dense<0.000000e+00> : vector<32xf32>
    %reduce_sum3A_773 = vector.multi_reduction <add>, %abs3A_771, %reduce_sum3A_772 [1] : vector<32x256xf32> to vector<32xf32>
    %neg3A_774 = arith.constant 0.000000e+00 : f32
    %neg3A_775 = vector.broadcast %neg3A_774 : f32 to vector<32xf32>
    %neg3A_776 = arith.subf %neg3A_775, %reduce_sum3A_773 : vector<32xf32>
    %exp3A_777 = math.exp %neg3A_776 : vector<32xf32>
    %log1p3A_778 = math.log1p %exp3A_777 : vector<32xf32>
    %neg3A_779 = arith.constant 0.000000e+00 : f32
    %neg3A_780 = vector.broadcast %neg3A_779 : f32 to vector<32xf32>
    %neg3A_781 = arith.subf %neg3A_780, %log1p3A_778 : vector<32xf32>
    %reduce_sum3A_782 = vector.shape_cast %neg3A_781 : vector<32xf32> to vector<1x32xf32>
    %reduce_sum3A_783 = arith.constant dense<0.000000e+00> : vector<1xf32>
    %reduce_sum3A_784 = vector.multi_reduction <add>, %reduce_sum3A_782, %reduce_sum3A_783 [1] : vector<1x32xf32> to vector<1xf32>
    %reduce_sum3A_785 = vector.shape_cast %reduce_sum3A_784 : vector<1xf32> to vector<1x1xf32>
    %reduce_sum3A_786 = vector.extract %reduce_sum3A_785[0, 0] : f32 from vector<1x1xf32>
    %add3A_787 = arith.constant 0.000000e+00 : f32
    %add3A_788 = arith.addf %add3A_787, %reduce_sum3A_786 : f32
    %get3A_789 = arith.constant 320 : index
    %get3A_790 = arith.constant 0 : index
    %get3A_791 = vector.load %arg0[%get3A_789, %get3A_790] : memref<768x256xf32, #tpu.memory_space<vmem>>, vector<32x256xf32>
    %logistic3A_792 = arith.negf %get3A_791 : vector<32x256xf32>
    %logistic3A_793 = math.exp %logistic3A_792 : vector<32x256xf32>
    %logistic3A_794 = arith.constant 1.000000e+00 : f32
    %logistic3A_795 = vector.broadcast %logistic3A_794 : f32 to vector<32x256xf32>
    %logistic3A_796 = arith.addf %logistic3A_795, %logistic3A_793 : vector<32x256xf32>
    %logistic3A_797 = arith.divf %logistic3A_795, %logistic3A_796 : vector<32x256xf32>
    %sub3A_798 = arith.subf %logistic3A_6, %logistic3A_797 : vector<32x256xf32>
    %abs3A_799 = math.absf %sub3A_798 : vector<32x256xf32>
    %reduce_sum3A_800 = arith.constant dense<0.000000e+00> : vector<32xf32>
    %reduce_sum3A_801 = vector.multi_reduction <add>, %abs3A_799, %reduce_sum3A_800 [1] : vector<32x256xf32> to vector<32xf32>
    %neg3A_802 = arith.constant 0.000000e+00 : f32
    %neg3A_803 = vector.broadcast %neg3A_802 : f32 to vector<32xf32>
    %neg3A_804 = arith.subf %neg3A_803, %reduce_sum3A_801 : vector<32xf32>
    %exp3A_805 = math.exp %neg3A_804 : vector<32xf32>
    %log1p3A_806 = math.log1p %exp3A_805 : vector<32xf32>
    %neg3A_807 = arith.constant 0.000000e+00 : f32
    %neg3A_808 = vector.broadcast %neg3A_807 : f32 to vector<32xf32>
    %neg3A_809 = arith.subf %neg3A_808, %log1p3A_806 : vector<32xf32>
    %reduce_sum3A_810 = vector.shape_cast %neg3A_809 : vector<32xf32> to vector<1x32xf32>
    %reduce_sum3A_811 = arith.constant dense<0.000000e+00> : vector<1xf32>
    %reduce_sum3A_812 = vector.multi_reduction <add>, %reduce_sum3A_810, %reduce_sum3A_811 [1] : vector<1x32xf32> to vector<1xf32>
    %reduce_sum3A_813 = vector.shape_cast %reduce_sum3A_812 : vector<1xf32> to vector<1x1xf32>
    %reduce_sum3A_814 = vector.extract %reduce_sum3A_813[0, 0] : f32 from vector<1x1xf32>
    %add3A_815 = arith.addf %add3A_788, %reduce_sum3A_814 : f32
    %get3A_816 = arith.constant 352 : index
    %get3A_817 = arith.constant 0 : index
    %get3A_818 = vector.load %arg0[%get3A_816, %get3A_817] : memref<768x256xf32, #tpu.memory_space<vmem>>, vector<32x256xf32>
    %logistic3A_819 = arith.negf %get3A_818 : vector<32x256xf32>
    %logistic3A_820 = math.exp %logistic3A_819 : vector<32x256xf32>
    %logistic3A_821 = arith.constant 1.000000e+00 : f32
    %logistic3A_822 = vector.broadcast %logistic3A_821 : f32 to vector<32x256xf32>
    %logistic3A_823 = arith.addf %logistic3A_822, %logistic3A_820 : vector<32x256xf32>
    %logistic3A_824 = arith.divf %logistic3A_822, %logistic3A_823 : vector<32x256xf32>
    %sub3A_825 = arith.subf %logistic3A_6, %logistic3A_824 : vector<32x256xf32>
    %abs3A_826 = math.absf %sub3A_825 : vector<32x256xf32>
    %reduce_sum3A_827 = arith.constant dense<0.000000e+00> : vector<32xf32>
    %reduce_sum3A_828 = vector.multi_reduction <add>, %abs3A_826, %reduce_sum3A_827 [1] : vector<32x256xf32> to vector<32xf32>
    %neg3A_829 = arith.constant 0.000000e+00 : f32
    %neg3A_830 = vector.broadcast %neg3A_829 : f32 to vector<32xf32>
    %neg3A_831 = arith.subf %neg3A_830, %reduce_sum3A_828 : vector<32xf32>
    %exp3A_832 = math.exp %neg3A_831 : vector<32xf32>
    %log1p3A_833 = math.log1p %exp3A_832 : vector<32xf32>
    %neg3A_834 = arith.constant 0.000000e+00 : f32
    %neg3A_835 = vector.broadcast %neg3A_834 : f32 to vector<32xf32>
    %neg3A_836 = arith.subf %neg3A_835, %log1p3A_833 : vector<32xf32>
    %reduce_sum3A_837 = vector.shape_cast %neg3A_836 : vector<32xf32> to vector<1x32xf32>
    %reduce_sum3A_838 = arith.constant dense<0.000000e+00> : vector<1xf32>
    %reduce_sum3A_839 = vector.multi_reduction <add>, %reduce_sum3A_837, %reduce_sum3A_838 [1] : vector<1x32xf32> to vector<1xf32>
    %reduce_sum3A_840 = vector.shape_cast %reduce_sum3A_839 : vector<1xf32> to vector<1x1xf32>
    %reduce_sum3A_841 = vector.extract %reduce_sum3A_840[0, 0] : f32 from vector<1x1xf32>
    %add3A_842 = arith.addf %add3A_815, %reduce_sum3A_841 : f32
    %get3A_843 = arith.constant 384 : index
    %get3A_844 = arith.constant 0 : index
    %get3A_845 = vector.load %arg0[%get3A_843, %get3A_844] : memref<768x256xf32, #tpu.memory_space<vmem>>, vector<32x256xf32>
    %logistic3A_846 = arith.negf %get3A_845 : vector<32x256xf32>
    %logistic3A_847 = math.exp %logistic3A_846 : vector<32x256xf32>
    %logistic3A_848 = arith.constant 1.000000e+00 : f32
    %logistic3A_849 = vector.broadcast %logistic3A_848 : f32 to vector<32x256xf32>
    %logistic3A_850 = arith.addf %logistic3A_849, %logistic3A_847 : vector<32x256xf32>
    %logistic3A_851 = arith.divf %logistic3A_849, %logistic3A_850 : vector<32x256xf32>
    %sub3A_852 = arith.subf %logistic3A_6, %logistic3A_851 : vector<32x256xf32>
    %abs3A_853 = math.absf %sub3A_852 : vector<32x256xf32>
    %reduce_sum3A_854 = arith.constant dense<0.000000e+00> : vector<32xf32>
    %reduce_sum3A_855 = vector.multi_reduction <add>, %abs3A_853, %reduce_sum3A_854 [1] : vector<32x256xf32> to vector<32xf32>
    %neg3A_856 = arith.constant 0.000000e+00 : f32
    %neg3A_857 = vector.broadcast %neg3A_856 : f32 to vector<32xf32>
    %neg3A_858 = arith.subf %neg3A_857, %reduce_sum3A_855 : vector<32xf32>
    %exp3A_859 = math.exp %neg3A_858 : vector<32xf32>
    %log1p3A_860 = math.log1p %exp3A_859 : vector<32xf32>
    %neg3A_861 = arith.constant 0.000000e+00 : f32
    %neg3A_862 = vector.broadcast %neg3A_861 : f32 to vector<32xf32>
    %neg3A_863 = arith.subf %neg3A_862, %log1p3A_860 : vector<32xf32>
    %reduce_sum3A_864 = vector.shape_cast %neg3A_863 : vector<32xf32> to vector<1x32xf32>
    %reduce_sum3A_865 = arith.constant dense<0.000000e+00> : vector<1xf32>
    %reduce_sum3A_866 = vector.multi_reduction <add>, %reduce_sum3A_864, %reduce_sum3A_865 [1] : vector<1x32xf32> to vector<1xf32>
    %reduce_sum3A_867 = vector.shape_cast %reduce_sum3A_866 : vector<1xf32> to vector<1x1xf32>
    %reduce_sum3A_868 = vector.extract %reduce_sum3A_867[0, 0] : f32 from vector<1x1xf32>
    %add3A_869 = arith.addf %add3A_842, %reduce_sum3A_868 : f32
    %get3A_870 = arith.constant 416 : index
    %get3A_871 = arith.constant 0 : index
    %get3A_872 = vector.load %arg0[%get3A_870, %get3A_871] : memref<768x256xf32, #tpu.memory_space<vmem>>, vector<128x256xf32>
    %logistic3A_873 = arith.negf %get3A_872 : vector<128x256xf32>
    %logistic3A_874 = math.exp %logistic3A_873 : vector<128x256xf32>
    %logistic3A_875 = arith.constant 1.000000e+00 : f32
    %logistic3A_876 = vector.broadcast %logistic3A_875 : f32 to vector<128x256xf32>
    %logistic3A_877 = arith.addf %logistic3A_876, %logistic3A_874 : vector<128x256xf32>
    %logistic3A_878 = arith.divf %logistic3A_876, %logistic3A_877 : vector<128x256xf32>
    %slice3A_879 = vector.extract_strided_slice %logistic3A_6 {offsets = [0, 0], sizes = [1, 256], strides = [1, 1]} : vector<32x256xf32> to vector<1x256xf32>
    %sub3A_880 = vector.broadcast %slice3A_879 : vector<1x256xf32> to vector<128x256xf32>
    %sub3A_881 = arith.subf %sub3A_880, %logistic3A_878 : vector<128x256xf32>
    %abs3A_882 = math.absf %sub3A_881 : vector<128x256xf32>
    %reduce_sum3A_883 = arith.constant dense<0.000000e+00> : vector<128xf32>
    %reduce_sum3A_884 = vector.multi_reduction <add>, %abs3A_882, %reduce_sum3A_883 [1] : vector<128x256xf32> to vector<128xf32>
    %neg3A_885 = arith.constant 0.000000e+00 : f32
    %neg3A_886 = vector.broadcast %neg3A_885 : f32 to vector<128xf32>
    %neg3A_887 = arith.subf %neg3A_886, %reduce_sum3A_884 : vector<128xf32>
    %exp3A_888 = math.exp %neg3A_887 : vector<128xf32>
    %log1p3A_889 = math.log1p %exp3A_888 : vector<128xf32>
    %neg3A_890 = arith.constant 0.000000e+00 : f32
    %neg3A_891 = vector.broadcast %neg3A_890 : f32 to vector<128xf32>
    %neg3A_892 = arith.subf %neg3A_891, %log1p3A_889 : vector<128xf32>
    %reduce_sum3A_893 = vector.shape_cast %neg3A_892 : vector<128xf32> to vector<1x128xf32>
    %reduce_sum3A_894 = arith.constant dense<0.000000e+00> : vector<1xf32>
    %reduce_sum3A_895 = vector.multi_reduction <add>, %reduce_sum3A_893, %reduce_sum3A_894 [1] : vector<1x128xf32> to vector<1xf32>
    %reduce_sum3A_896 = vector.shape_cast %reduce_sum3A_895 : vector<1xf32> to vector<1x1xf32>
    %reduce_sum3A_897 = vector.extract %reduce_sum3A_896[0, 0] : f32 from vector<1x1xf32>
    %add3A_898 = arith.constant 0.000000e+00 : f32
    %add3A_899 = arith.addf %add3A_898, %reduce_sum3A_897 : f32
    %slice3A_900 = vector.extract_strided_slice %logistic3A_6 {offsets = [1, 0], sizes = [1, 256], strides = [1, 1]} : vector<32x256xf32> to vector<1x256xf32>
    %sub3A_901 = vector.broadcast %slice3A_900 : vector<1x256xf32> to vector<128x256xf32>
    %sub3A_902 = arith.subf %sub3A_901, %logistic3A_878 : vector<128x256xf32>
    %abs3A_903 = math.absf %sub3A_902 : vector<128x256xf32>
    %reduce_sum3A_904 = arith.constant dense<0.000000e+00> : vector<128xf32>
    %reduce_sum3A_905 = vector.multi_reduction <add>, %abs3A_903, %reduce_sum3A_904 [1] : vector<128x256xf32> to vector<128xf32>
    %neg3A_906 = arith.constant 0.000000e+00 : f32
    %neg3A_907 = vector.broadcast %neg3A_906 : f32 to vector<128xf32>
    %neg3A_908 = arith.subf %neg3A_907, %reduce_sum3A_905 : vector<128xf32>
    %exp3A_909 = math.exp %neg3A_908 : vector<128xf32>
    %log1p3A_910 = math.log1p %exp3A_909 : vector<128xf32>
    %neg3A_911 = arith.constant 0.000000e+00 : f32
    %neg3A_912 = vector.broadcast %neg3A_911 : f32 to vector<128xf32>
    %neg3A_913 = arith.subf %neg3A_912, %log1p3A_910 : vector<128xf32>
    %reduce_sum3A_914 = vector.shape_cast %neg3A_913 : vector<128xf32> to vector<1x128xf32>
    %reduce_sum3A_915 = arith.constant dense<0.000000e+00> : vector<1xf32>
    %reduce_sum3A_916 = vector.multi_reduction <add>, %reduce_sum3A_914, %reduce_sum3A_915 [1] : vector<1x128xf32> to vector<1xf32>
    %reduce_sum3A_917 = vector.shape_cast %reduce_sum3A_916 : vector<1xf32> to vector<1x1xf32>
    %reduce_sum3A_918 = vector.extract %reduce_sum3A_917[0, 0] : f32 from vector<1x1xf32>
    %add3A_919 = arith.addf %add3A_899, %reduce_sum3A_918 : f32
    %slice3A_920 = vector.extract_strided_slice %logistic3A_6 {offsets = [2, 0], sizes = [1, 256], strides = [1, 1]} : vector<32x256xf32> to vector<1x256xf32>
    %sub3A_921 = vector.broadcast %slice3A_920 : vector<1x256xf32> to vector<128x256xf32>
    %sub3A_922 = arith.subf %sub3A_921, %logistic3A_878 : vector<128x256xf32>
    %abs3A_923 = math.absf %sub3A_922 : vector<128x256xf32>
    %reduce_sum3A_924 = arith.constant dense<0.000000e+00> : vector<128xf32>
    %reduce_sum3A_925 = vector.multi_reduction <add>, %abs3A_923, %reduce_sum3A_924 [1] : vector<128x256xf32> to vector<128xf32>
    %neg3A_926 = arith.constant 0.000000e+00 : f32
    %neg3A_927 = vector.broadcast %neg3A_926 : f32 to vector<128xf32>
    %neg3A_928 = arith.subf %neg3A_927, %reduce_sum3A_925 : vector<128xf32>
    %exp3A_929 = math.exp %neg3A_928 : vector<128xf32>
    %log1p3A_930 = math.log1p %exp3A_929 : vector<128xf32>
    %neg3A_931 = arith.constant 0.000000e+00 : f32
    %neg3A_932 = vector.broadcast %neg3A_931 : f32 to vector<128xf32>
    %neg3A_933 = arith.subf %neg3A_932, %log1p3A_930 : vector<128xf32>
    %reduce_sum3A_934 = vector.shape_cast %neg3A_933 : vector<128xf32> to vector<1x128xf32>
    %reduce_sum3A_935 = arith.constant dense<0.000000e+00> : vector<1xf32>
    %reduce_sum3A_936 = vector.multi_reduction <add>, %reduce_sum3A_934, %reduce_sum3A_935 [1] : vector<1x128xf32> to vector<1xf32>
    %reduce_sum3A_937 = vector.shape_cast %reduce_sum3A_936 : vector<1xf32> to vector<1x1xf32>
    %reduce_sum3A_938 = vector.extract %reduce_sum3A_937[0, 0] : f32 from vector<1x1xf32>
    %add3A_939 = arith.addf %add3A_919, %reduce_sum3A_938 : f32
    %slice3A_940 = vector.extract_strided_slice %logistic3A_6 {offsets = [3, 0], sizes = [1, 256], strides = [1, 1]} : vector<32x256xf32> to vector<1x256xf32>
    %sub3A_941 = vector.broadcast %slice3A_940 : vector<1x256xf32> to vector<128x256xf32>
    %sub3A_942 = arith.subf %sub3A_941, %logistic3A_878 : vector<128x256xf32>
    %abs3A_943 = math.absf %sub3A_942 : vector<128x256xf32>
    %reduce_sum3A_944 = arith.constant dense<0.000000e+00> : vector<128xf32>
    %reduce_sum3A_945 = vector.multi_reduction <add>, %abs3A_943, %reduce_sum3A_944 [1] : vector<128x256xf32> to vector<128xf32>
    %neg3A_946 = arith.constant 0.000000e+00 : f32
    %neg3A_947 = vector.broadcast %neg3A_946 : f32 to vector<128xf32>
    %neg3A_948 = arith.subf %neg3A_947, %reduce_sum3A_945 : vector<128xf32>
    %exp3A_949 = math.exp %neg3A_948 : vector<128xf32>
    %log1p3A_950 = math.log1p %exp3A_949 : vector<128xf32>
    %neg3A_951 = arith.constant 0.000000e+00 : f32
    %neg3A_952 = vector.broadcast %neg3A_951 : f32 to vector<128xf32>
    %neg3A_953 = arith.subf %neg3A_952, %log1p3A_950 : vector<128xf32>
    %reduce_sum3A_954 = vector.shape_cast %neg3A_953 : vector<128xf32> to vector<1x128xf32>
    %reduce_sum3A_955 = arith.constant dense<0.000000e+00> : vector<1xf32>
    %reduce_sum3A_956 = vector.multi_reduction <add>, %reduce_sum3A_954, %reduce_sum3A_955 [1] : vector<1x128xf32> to vector<1xf32>
    %reduce_sum3A_957 = vector.shape_cast %reduce_sum3A_956 : vector<1xf32> to vector<1x1xf32>
    %reduce_sum3A_958 = vector.extract %reduce_sum3A_957[0, 0] : f32 from vector<1x1xf32>
    %add3A_959 = arith.addf %add3A_939, %reduce_sum3A_958 : f32
    %slice3A_960 = vector.extract_strided_slice %logistic3A_6 {offsets = [4, 0], sizes = [1, 256], strides = [1, 1]} : vector<32x256xf32> to vector<1x256xf32>
    %sub3A_961 = vector.broadcast %slice3A_960 : vector<1x256xf32> to vector<128x256xf32>
    %sub3A_962 = arith.subf %sub3A_961, %logistic3A_878 : vector<128x256xf32>
    %abs3A_963 = math.absf %sub3A_962 : vector<128x256xf32>
    %reduce_sum3A_964 = arith.constant dense<0.000000e+00> : vector<128xf32>
    %reduce_sum3A_965 = vector.multi_reduction <add>, %abs3A_963, %reduce_sum3A_964 [1] : vector<128x256xf32> to vector<128xf32>
    %neg3A_966 = arith.constant 0.000000e+00 : f32
    %neg3A_967 = vector.broadcast %neg3A_966 : f32 to vector<128xf32>
    %neg3A_968 = arith.subf %neg3A_967, %reduce_sum3A_965 : vector<128xf32>
    %exp3A_969 = math.exp %neg3A_968 : vector<128xf32>
    %log1p3A_970 = math.log1p %exp3A_969 : vector<128xf32>
    %neg3A_971 = arith.constant 0.000000e+00 : f32
    %neg3A_972 = vector.broadcast %neg3A_971 : f32 to vector<128xf32>
    %neg3A_973 = arith.subf %neg3A_972, %log1p3A_970 : vector<128xf32>
    %reduce_sum3A_974 = vector.shape_cast %neg3A_973 : vector<128xf32> to vector<1x128xf32>
    %reduce_sum3A_975 = arith.constant dense<0.000000e+00> : vector<1xf32>
    %reduce_sum3A_976 = vector.multi_reduction <add>, %reduce_sum3A_974, %reduce_sum3A_975 [1] : vector<1x128xf32> to vector<1xf32>
    %reduce_sum3A_977 = vector.shape_cast %reduce_sum3A_976 : vector<1xf32> to vector<1x1xf32>
    %reduce_sum3A_978 = vector.extract %reduce_sum3A_977[0, 0] : f32 from vector<1x1xf32>
    %add3A_979 = arith.addf %add3A_959, %reduce_sum3A_978 : f32
    %slice3A_980 = vector.extract_strided_slice %logistic3A_6 {offsets = [5, 0], sizes = [1, 256], strides = [1, 1]} : vector<32x256xf32> to vector<1x256xf32>
    %sub3A_981 = vector.broadcast %slice3A_980 : vector<1x256xf32> to vector<128x256xf32>
    %sub3A_982 = arith.subf %sub3A_981, %logistic3A_878 : vector<128x256xf32>
    %abs3A_983 = math.absf %sub3A_982 : vector<128x256xf32>
    %reduce_sum3A_984 = arith.constant dense<0.000000e+00> : vector<128xf32>
    %reduce_sum3A_985 = vector.multi_reduction <add>, %abs3A_983, %reduce_sum3A_984 [1] : vector<128x256xf32> to vector<128xf32>
    %neg3A_986 = arith.constant 0.000000e+00 : f32
    %neg3A_987 = vector.broadcast %neg3A_986 : f32 to vector<128xf32>
    %neg3A_988 = arith.subf %neg3A_987, %reduce_sum3A_985 : vector<128xf32>
    %exp3A_989 = math.exp %neg3A_988 : vector<128xf32>
    %log1p3A_990 = math.log1p %exp3A_989 : vector<128xf32>
    %neg3A_991 = arith.constant 0.000000e+00 : f32
    %neg3A_992 = vector.broadcast %neg3A_991 : f32 to vector<128xf32>
    %neg3A_993 = arith.subf %neg3A_992, %log1p3A_990 : vector<128xf32>
    %reduce_sum3A_994 = vector.shape_cast %neg3A_993 : vector<128xf32> to vector<1x128xf32>
    %reduce_sum3A_995 = arith.constant dense<0.000000e+00> : vector<1xf32>
    %reduce_sum3A_996 = vector.multi_reduction <add>, %reduce_sum3A_994, %reduce_sum3A_995 [1] : vector<1x128xf32> to vector<1xf32>
    %reduce_sum3A_997 = vector.shape_cast %reduce_sum3A_996 : vector<1xf32> to vector<1x1xf32>
    %reduce_sum3A_998 = vector.extract %reduce_sum3A_997[0, 0] : f32 from vector<1x1xf32>
    %add3A_999 = arith.addf %add3A_979, %reduce_sum3A_998 : f32
    %slice3A_1000 = vector.extract_strided_slice %logistic3A_6 {offsets = [6, 0], sizes = [1, 256], strides = [1, 1]} : vector<32x256xf32> to vector<1x256xf32>
    %sub3A_1001 = vector.broadcast %slice3A_1000 : vector<1x256xf32> to vector<128x256xf32>
    %sub3A_1002 = arith.subf %sub3A_1001, %logistic3A_878 : vector<128x256xf32>
    %abs3A_1003 = math.absf %sub3A_1002 : vector<128x256xf32>
    %reduce_sum3A_1004 = arith.constant dense<0.000000e+00> : vector<128xf32>
    %reduce_sum3A_1005 = vector.multi_reduction <add>, %abs3A_1003, %reduce_sum3A_1004 [1] : vector<128x256xf32> to vector<128xf32>
    %neg3A_1006 = arith.constant 0.000000e+00 : f32
    %neg3A_1007 = vector.broadcast %neg3A_1006 : f32 to vector<128xf32>
    %neg3A_1008 = arith.subf %neg3A_1007, %reduce_sum3A_1005 : vector<128xf32>
    %exp3A_1009 = math.exp %neg3A_1008 : vector<128xf32>
    %log1p3A_1010 = math.log1p %exp3A_1009 : vector<128xf32>
    %neg3A_1011 = arith.constant 0.000000e+00 : f32
    %neg3A_1012 = vector.broadcast %neg3A_1011 : f32 to vector<128xf32>
    %neg3A_1013 = arith.subf %neg3A_1012, %log1p3A_1010 : vector<128xf32>
    %reduce_sum3A_1014 = vector.shape_cast %neg3A_1013 : vector<128xf32> to vector<1x128xf32>
    %reduce_sum3A_1015 = arith.constant dense<0.000000e+00> : vector<1xf32>
    %reduce_sum3A_1016 = vector.multi_reduction <add>, %reduce_sum3A_1014, %reduce_sum3A_1015 [1] : vector<1x128xf32> to vector<1xf32>
    %reduce_sum3A_1017 = vector.shape_cast %reduce_sum3A_1016 : vector<1xf32> to vector<1x1xf32>
    %reduce_sum3A_1018 = vector.extract %reduce_sum3A_1017[0, 0] : f32 from vector<1x1xf32>
    %add3A_1019 = arith.addf %add3A_999, %reduce_sum3A_1018 : f32
    %slice3A_1020 = vector.extract_strided_slice %logistic3A_6 {offsets = [7, 0], sizes = [1, 256], strides = [1, 1]} : vector<32x256xf32> to vector<1x256xf32>
    %sub3A_1021 = vector.broadcast %slice3A_1020 : vector<1x256xf32> to vector<128x256xf32>
    %sub3A_1022 = arith.subf %sub3A_1021, %logistic3A_878 : vector<128x256xf32>
    %abs3A_1023 = math.absf %sub3A_1022 : vector<128x256xf32>
    %reduce_sum3A_1024 = arith.constant dense<0.000000e+00> : vector<128xf32>
    %reduce_sum3A_1025 = vector.multi_reduction <add>, %abs3A_1023, %reduce_sum3A_1024 [1] : vector<128x256xf32> to vector<128xf32>
    %neg3A_1026 = arith.constant 0.000000e+00 : f32
    %neg3A_1027 = vector.broadcast %neg3A_1026 : f32 to vector<128xf32>
    %neg3A_1028 = arith.subf %neg3A_1027, %reduce_sum3A_1025 : vector<128xf32>
    %exp3A_1029 = math.exp %neg3A_1028 : vector<128xf32>
    %log1p3A_1030 = math.log1p %exp3A_1029 : vector<128xf32>
    %neg3A_1031 = arith.constant 0.000000e+00 : f32
    %neg3A_1032 = vector.broadcast %neg3A_1031 : f32 to vector<128xf32>
    %neg3A_1033 = arith.subf %neg3A_1032, %log1p3A_1030 : vector<128xf32>
    %reduce_sum3A_1034 = vector.shape_cast %neg3A_1033 : vector<128xf32> to vector<1x128xf32>
    %reduce_sum3A_1035 = arith.constant dense<0.000000e+00> : vector<1xf32>
    %reduce_sum3A_1036 = vector.multi_reduction <add>, %reduce_sum3A_1034, %reduce_sum3A_1035 [1] : vector<1x128xf32> to vector<1xf32>
    %reduce_sum3A_1037 = vector.shape_cast %reduce_sum3A_1036 : vector<1xf32> to vector<1x1xf32>
    %reduce_sum3A_1038 = vector.extract %reduce_sum3A_1037[0, 0] : f32 from vector<1x1xf32>
    %add3A_1039 = arith.addf %add3A_1019, %reduce_sum3A_1038 : f32
    %slice3A_1040 = vector.extract_strided_slice %logistic3A_6 {offsets = [8, 0], sizes = [1, 256], strides = [1, 1]} : vector<32x256xf32> to vector<1x256xf32>
    %sub3A_1041 = vector.broadcast %slice3A_1040 : vector<1x256xf32> to vector<128x256xf32>
    %sub3A_1042 = arith.subf %sub3A_1041, %logistic3A_878 : vector<128x256xf32>
    %abs3A_1043 = math.absf %sub3A_1042 : vector<128x256xf32>
    %reduce_sum3A_1044 = arith.constant dense<0.000000e+00> : vector<128xf32>
    %reduce_sum3A_1045 = vector.multi_reduction <add>, %abs3A_1043, %reduce_sum3A_1044 [1] : vector<128x256xf32> to vector<128xf32>
    %neg3A_1046 = arith.constant 0.000000e+00 : f32
    %neg3A_1047 = vector.broadcast %neg3A_1046 : f32 to vector<128xf32>
    %neg3A_1048 = arith.subf %neg3A_1047, %reduce_sum3A_1045 : vector<128xf32>
    %exp3A_1049 = math.exp %neg3A_1048 : vector<128xf32>
    %log1p3A_1050 = math.log1p %exp3A_1049 : vector<128xf32>
    %neg3A_1051 = arith.constant 0.000000e+00 : f32
    %neg3A_1052 = vector.broadcast %neg3A_1051 : f32 to vector<128xf32>
    %neg3A_1053 = arith.subf %neg3A_1052, %log1p3A_1050 : vector<128xf32>
    %reduce_sum3A_1054 = vector.shape_cast %neg3A_1053 : vector<128xf32> to vector<1x128xf32>
    %reduce_sum3A_1055 = arith.constant dense<0.000000e+00> : vector<1xf32>
    %reduce_sum3A_1056 = vector.multi_reduction <add>, %reduce_sum3A_1054, %reduce_sum3A_1055 [1] : vector<1x128xf32> to vector<1xf32>
    %reduce_sum3A_1057 = vector.shape_cast %reduce_sum3A_1056 : vector<1xf32> to vector<1x1xf32>
    %reduce_sum3A_1058 = vector.extract %reduce_sum3A_1057[0, 0] : f32 from vector<1x1xf32>
    %add3A_1059 = arith.addf %add3A_1039, %reduce_sum3A_1058 : f32
    %slice3A_1060 = vector.extract_strided_slice %logistic3A_6 {offsets = [9, 0], sizes = [1, 256], strides = [1, 1]} : vector<32x256xf32> to vector<1x256xf32>
    %sub3A_1061 = vector.broadcast %slice3A_1060 : vector<1x256xf32> to vector<128x256xf32>
    %sub3A_1062 = arith.subf %sub3A_1061, %logistic3A_878 : vector<128x256xf32>
    %abs3A_1063 = math.absf %sub3A_1062 : vector<128x256xf32>
    %reduce_sum3A_1064 = arith.constant dense<0.000000e+00> : vector<128xf32>
    %reduce_sum3A_1065 = vector.multi_reduction <add>, %abs3A_1063, %reduce_sum3A_1064 [1] : vector<128x256xf32> to vector<128xf32>
    %neg3A_1066 = arith.constant 0.000000e+00 : f32
    %neg3A_1067 = vector.broadcast %neg3A_1066 : f32 to vector<128xf32>
    %neg3A_1068 = arith.subf %neg3A_1067, %reduce_sum3A_1065 : vector<128xf32>
    %exp3A_1069 = math.exp %neg3A_1068 : vector<128xf32>
    %log1p3A_1070 = math.log1p %exp3A_1069 : vector<128xf32>
    %neg3A_1071 = arith.constant 0.000000e+00 : f32
    %neg3A_1072 = vector.broadcast %neg3A_1071 : f32 to vector<128xf32>
    %neg3A_1073 = arith.subf %neg3A_1072, %log1p3A_1070 : vector<128xf32>
    %reduce_sum3A_1074 = vector.shape_cast %neg3A_1073 : vector<128xf32> to vector<1x128xf32>
    %reduce_sum3A_1075 = arith.constant dense<0.000000e+00> : vector<1xf32>
    %reduce_sum3A_1076 = vector.multi_reduction <add>, %reduce_sum3A_1074, %reduce_sum3A_1075 [1] : vector<1x128xf32> to vector<1xf32>
    %reduce_sum3A_1077 = vector.shape_cast %reduce_sum3A_1076 : vector<1xf32> to vector<1x1xf32>
    %reduce_sum3A_1078 = vector.extract %reduce_sum3A_1077[0, 0] : f32 from vector<1x1xf32>
    %add3A_1079 = arith.addf %add3A_1059, %reduce_sum3A_1078 : f32
    %slice3A_1080 = vector.extract_strided_slice %logistic3A_6 {offsets = [10, 0], sizes = [1, 256], strides = [1, 1]} : vector<32x256xf32> to vector<1x256xf32>
    %sub3A_1081 = vector.broadcast %slice3A_1080 : vector<1x256xf32> to vector<128x256xf32>
    %sub3A_1082 = arith.subf %sub3A_1081, %logistic3A_878 : vector<128x256xf32>
    %abs3A_1083 = math.absf %sub3A_1082 : vector<128x256xf32>
    %reduce_sum3A_1084 = arith.constant dense<0.000000e+00> : vector<128xf32>
    %reduce_sum3A_1085 = vector.multi_reduction <add>, %abs3A_1083, %reduce_sum3A_1084 [1] : vector<128x256xf32> to vector<128xf32>
    %neg3A_1086 = arith.constant 0.000000e+00 : f32
    %neg3A_1087 = vector.broadcast %neg3A_1086 : f32 to vector<128xf32>
    %neg3A_1088 = arith.subf %neg3A_1087, %reduce_sum3A_1085 : vector<128xf32>
    %exp3A_1089 = math.exp %neg3A_1088 : vector<128xf32>
    %log1p3A_1090 = math.log1p %exp3A_1089 : vector<128xf32>
    %neg3A_1091 = arith.constant 0.000000e+00 : f32
    %neg3A_1092 = vector.broadcast %neg3A_1091 : f32 to vector<128xf32>
    %neg3A_1093 = arith.subf %neg3A_1092, %log1p3A_1090 : vector<128xf32>
    %reduce_sum3A_1094 = vector.shape_cast %neg3A_1093 : vector<128xf32> to vector<1x128xf32>
    %reduce_sum3A_1095 = arith.constant dense<0.000000e+00> : vector<1xf32>
    %reduce_sum3A_1096 = vector.multi_reduction <add>, %reduce_sum3A_1094, %reduce_sum3A_1095 [1] : vector<1x128xf32> to vector<1xf32>
    %reduce_sum3A_1097 = vector.shape_cast %reduce_sum3A_1096 : vector<1xf32> to vector<1x1xf32>
    %reduce_sum3A_1098 = vector.extract %reduce_sum3A_1097[0, 0] : f32 from vector<1x1xf32>
    %add3A_1099 = arith.addf %add3A_1079, %reduce_sum3A_1098 : f32
    %slice3A_1100 = vector.extract_strided_slice %logistic3A_6 {offsets = [11, 0], sizes = [1, 256], strides = [1, 1]} : vector<32x256xf32> to vector<1x256xf32>
    %sub3A_1101 = vector.broadcast %slice3A_1100 : vector<1x256xf32> to vector<128x256xf32>
    %sub3A_1102 = arith.subf %sub3A_1101, %logistic3A_878 : vector<128x256xf32>
    %abs3A_1103 = math.absf %sub3A_1102 : vector<128x256xf32>
    %reduce_sum3A_1104 = arith.constant dense<0.000000e+00> : vector<128xf32>
    %reduce_sum3A_1105 = vector.multi_reduction <add>, %abs3A_1103, %reduce_sum3A_1104 [1] : vector<128x256xf32> to vector<128xf32>
    %neg3A_1106 = arith.constant 0.000000e+00 : f32
    %neg3A_1107 = vector.broadcast %neg3A_1106 : f32 to vector<128xf32>
    %neg3A_1108 = arith.subf %neg3A_1107, %reduce_sum3A_1105 : vector<128xf32>
    %exp3A_1109 = math.exp %neg3A_1108 : vector<128xf32>
    %log1p3A_1110 = math.log1p %exp3A_1109 : vector<128xf32>
    %neg3A_1111 = arith.constant 0.000000e+00 : f32
    %neg3A_1112 = vector.broadcast %neg3A_1111 : f32 to vector<128xf32>
    %neg3A_1113 = arith.subf %neg3A_1112, %log1p3A_1110 : vector<128xf32>
    %reduce_sum3A_1114 = vector.shape_cast %neg3A_1113 : vector<128xf32> to vector<1x128xf32>
    %reduce_sum3A_1115 = arith.constant dense<0.000000e+00> : vector<1xf32>
    %reduce_sum3A_1116 = vector.multi_reduction <add>, %reduce_sum3A_1114, %reduce_sum3A_1115 [1] : vector<1x128xf32> to vector<1xf32>
    %reduce_sum3A_1117 = vector.shape_cast %reduce_sum3A_1116 : vector<1xf32> to vector<1x1xf32>
    %reduce_sum3A_1118 = vector.extract %reduce_sum3A_1117[0, 0] : f32 from vector<1x1xf32>
    %add3A_1119 = arith.addf %add3A_1099, %reduce_sum3A_1118 : f32
    %slice3A_1120 = vector.extract_strided_slice %logistic3A_6 {offsets = [12, 0], sizes = [1, 256], strides = [1, 1]} : vector<32x256xf32> to vector<1x256xf32>
    %sub3A_1121 = vector.broadcast %slice3A_1120 : vector<1x256xf32> to vector<128x256xf32>
    %sub3A_1122 = arith.subf %sub3A_1121, %logistic3A_878 : vector<128x256xf32>
    %abs3A_1123 = math.absf %sub3A_1122 : vector<128x256xf32>
    %reduce_sum3A_1124 = arith.constant dense<0.000000e+00> : vector<128xf32>
    %reduce_sum3A_1125 = vector.multi_reduction <add>, %abs3A_1123, %reduce_sum3A_1124 [1] : vector<128x256xf32> to vector<128xf32>
    %neg3A_1126 = arith.constant 0.000000e+00 : f32
    %neg3A_1127 = vector.broadcast %neg3A_1126 : f32 to vector<128xf32>
    %neg3A_1128 = arith.subf %neg3A_1127, %reduce_sum3A_1125 : vector<128xf32>
    %exp3A_1129 = math.exp %neg3A_1128 : vector<128xf32>
    %log1p3A_1130 = math.log1p %exp3A_1129 : vector<128xf32>
    %neg3A_1131 = arith.constant 0.000000e+00 : f32
    %neg3A_1132 = vector.broadcast %neg3A_1131 : f32 to vector<128xf32>
    %neg3A_1133 = arith.subf %neg3A_1132, %log1p3A_1130 : vector<128xf32>
    %reduce_sum3A_1134 = vector.shape_cast %neg3A_1133 : vector<128xf32> to vector<1x128xf32>
    %reduce_sum3A_1135 = arith.constant dense<0.000000e+00> : vector<1xf32>
    %reduce_sum3A_1136 = vector.multi_reduction <add>, %reduce_sum3A_1134, %reduce_sum3A_1135 [1] : vector<1x128xf32> to vector<1xf32>
    %reduce_sum3A_1137 = vector.shape_cast %reduce_sum3A_1136 : vector<1xf32> to vector<1x1xf32>
    %reduce_sum3A_1138 = vector.extract %reduce_sum3A_1137[0, 0] : f32 from vector<1x1xf32>
    %add3A_1139 = arith.addf %add3A_1119, %reduce_sum3A_1138 : f32
    %slice3A_1140 = vector.extract_strided_slice %logistic3A_6 {offsets = [13, 0], sizes = [1, 256], strides = [1, 1]} : vector<32x256xf32> to vector<1x256xf32>
    %sub3A_1141 = vector.broadcast %slice3A_1140 : vector<1x256xf32> to vector<128x256xf32>
    %sub3A_1142 = arith.subf %sub3A_1141, %logistic3A_878 : vector<128x256xf32>
    %abs3A_1143 = math.absf %sub3A_1142 : vector<128x256xf32>
    %reduce_sum3A_1144 = arith.constant dense<0.000000e+00> : vector<128xf32>
    %reduce_sum3A_1145 = vector.multi_reduction <add>, %abs3A_1143, %reduce_sum3A_1144 [1] : vector<128x256xf32> to vector<128xf32>
    %neg3A_1146 = arith.constant 0.000000e+00 : f32
    %neg3A_1147 = vector.broadcast %neg3A_1146 : f32 to vector<128xf32>
    %neg3A_1148 = arith.subf %neg3A_1147, %reduce_sum3A_1145 : vector<128xf32>
    %exp3A_1149 = math.exp %neg3A_1148 : vector<128xf32>
    %log1p3A_1150 = math.log1p %exp3A_1149 : vector<128xf32>
    %neg3A_1151 = arith.constant 0.000000e+00 : f32
    %neg3A_1152 = vector.broadcast %neg3A_1151 : f32 to vector<128xf32>
    %neg3A_1153 = arith.subf %neg3A_1152, %log1p3A_1150 : vector<128xf32>
    %reduce_sum3A_1154 = vector.shape_cast %neg3A_1153 : vector<128xf32> to vector<1x128xf32>
    %reduce_sum3A_1155 = arith.constant dense<0.000000e+00> : vector<1xf32>
    %reduce_sum3A_1156 = vector.multi_reduction <add>, %reduce_sum3A_1154, %reduce_sum3A_1155 [1] : vector<1x128xf32> to vector<1xf32>
    %reduce_sum3A_1157 = vector.shape_cast %reduce_sum3A_1156 : vector<1xf32> to vector<1x1xf32>
    %reduce_sum3A_1158 = vector.extract %reduce_sum3A_1157[0, 0] : f32 from vector<1x1xf32>
    %add3A_1159 = arith.addf %add3A_1139, %reduce_sum3A_1158 : f32
    %slice3A_1160 = vector.extract_strided_slice %logistic3A_6 {offsets = [14, 0], sizes = [1, 256], strides = [1, 1]} : vector<32x256xf32> to vector<1x256xf32>
    %sub3A_1161 = vector.broadcast %slice3A_1160 : vector<1x256xf32> to vector<128x256xf32>
    %sub3A_1162 = arith.subf %sub3A_1161, %logistic3A_878 : vector<128x256xf32>
    %abs3A_1163 = math.absf %sub3A_1162 : vector<128x256xf32>
    %reduce_sum3A_1164 = arith.constant dense<0.000000e+00> : vector<128xf32>
    %reduce_sum3A_1165 = vector.multi_reduction <add>, %abs3A_1163, %reduce_sum3A_1164 [1] : vector<128x256xf32> to vector<128xf32>
    %neg3A_1166 = arith.constant 0.000000e+00 : f32
    %neg3A_1167 = vector.broadcast %neg3A_1166 : f32 to vector<128xf32>
    %neg3A_1168 = arith.subf %neg3A_1167, %reduce_sum3A_1165 : vector<128xf32>
    %exp3A_1169 = math.exp %neg3A_1168 : vector<128xf32>
    %log1p3A_1170 = math.log1p %exp3A_1169 : vector<128xf32>
    %neg3A_1171 = arith.constant 0.000000e+00 : f32
    %neg3A_1172 = vector.broadcast %neg3A_1171 : f32 to vector<128xf32>
    %neg3A_1173 = arith.subf %neg3A_1172, %log1p3A_1170 : vector<128xf32>
    %reduce_sum3A_1174 = vector.shape_cast %neg3A_1173 : vector<128xf32> to vector<1x128xf32>
    %reduce_sum3A_1175 = arith.constant dense<0.000000e+00> : vector<1xf32>
    %reduce_sum3A_1176 = vector.multi_reduction <add>, %reduce_sum3A_1174, %reduce_sum3A_1175 [1] : vector<1x128xf32> to vector<1xf32>
    %reduce_sum3A_1177 = vector.shape_cast %reduce_sum3A_1176 : vector<1xf32> to vector<1x1xf32>
    %reduce_sum3A_1178 = vector.extract %reduce_sum3A_1177[0, 0] : f32 from vector<1x1xf32>
    %add3A_1179 = arith.addf %add3A_1159, %reduce_sum3A_1178 : f32
    %slice3A_1180 = vector.extract_strided_slice %logistic3A_6 {offsets = [15, 0], sizes = [1, 256], strides = [1, 1]} : vector<32x256xf32> to vector<1x256xf32>
    %sub3A_1181 = vector.broadcast %slice3A_1180 : vector<1x256xf32> to vector<128x256xf32>
    %sub3A_1182 = arith.subf %sub3A_1181, %logistic3A_878 : vector<128x256xf32>
    %abs3A_1183 = math.absf %sub3A_1182 : vector<128x256xf32>
    %reduce_sum3A_1184 = arith.constant dense<0.000000e+00> : vector<128xf32>
    %reduce_sum3A_1185 = vector.multi_reduction <add>, %abs3A_1183, %reduce_sum3A_1184 [1] : vector<128x256xf32> to vector<128xf32>
    %neg3A_1186 = arith.constant 0.000000e+00 : f32
    %neg3A_1187 = vector.broadcast %neg3A_1186 : f32 to vector<128xf32>
    %neg3A_1188 = arith.subf %neg3A_1187, %reduce_sum3A_1185 : vector<128xf32>
    %exp3A_1189 = math.exp %neg3A_1188 : vector<128xf32>
    %log1p3A_1190 = math.log1p %exp3A_1189 : vector<128xf32>
    %neg3A_1191 = arith.constant 0.000000e+00 : f32
    %neg3A_1192 = vector.broadcast %neg3A_1191 : f32 to vector<128xf32>
    %neg3A_1193 = arith.subf %neg3A_1192, %log1p3A_1190 : vector<128xf32>
    %reduce_sum3A_1194 = vector.shape_cast %neg3A_1193 : vector<128xf32> to vector<1x128xf32>
    %reduce_sum3A_1195 = arith.constant dense<0.000000e+00> : vector<1xf32>
    %reduce_sum3A_1196 = vector.multi_reduction <add>, %reduce_sum3A_1194, %reduce_sum3A_1195 [1] : vector<1x128xf32> to vector<1xf32>
    %reduce_sum3A_1197 = vector.shape_cast %reduce_sum3A_1196 : vector<1xf32> to vector<1x1xf32>
    %reduce_sum3A_1198 = vector.extract %reduce_sum3A_1197[0, 0] : f32 from vector<1x1xf32>
    %add3A_1199 = arith.addf %add3A_1179, %reduce_sum3A_1198 : f32
    %slice3A_1200 = vector.extract_strided_slice %logistic3A_6 {offsets = [16, 0], sizes = [1, 256], strides = [1, 1]} : vector<32x256xf32> to vector<1x256xf32>
    %sub3A_1201 = vector.broadcast %slice3A_1200 : vector<1x256xf32> to vector<128x256xf32>
    %sub3A_1202 = arith.subf %sub3A_1201, %logistic3A_878 : vector<128x256xf32>
    %abs3A_1203 = math.absf %sub3A_1202 : vector<128x256xf32>
    %reduce_sum3A_1204 = arith.constant dense<0.000000e+00> : vector<128xf32>
    %reduce_sum3A_1205 = vector.multi_reduction <add>, %abs3A_1203, %reduce_sum3A_1204 [1] : vector<128x256xf32> to vector<128xf32>
    %neg3A_1206 = arith.constant 0.000000e+00 : f32
    %neg3A_1207 = vector.broadcast %neg3A_1206 : f32 to vector<128xf32>
    %neg3A_1208 = arith.subf %neg3A_1207, %reduce_sum3A_1205 : vector<128xf32>
    %exp3A_1209 = math.exp %neg3A_1208 : vector<128xf32>
    %log1p3A_1210 = math.log1p %exp3A_1209 : vector<128xf32>
    %neg3A_1211 = arith.constant 0.000000e+00 : f32
    %neg3A_1212 = vector.broadcast %neg3A_1211 : f32 to vector<128xf32>
    %neg3A_1213 = arith.subf %neg3A_1212, %log1p3A_1210 : vector<128xf32>
    %reduce_sum3A_1214 = vector.shape_cast %neg3A_1213 : vector<128xf32> to vector<1x128xf32>
    %reduce_sum3A_1215 = arith.constant dense<0.000000e+00> : vector<1xf32>
    %reduce_sum3A_1216 = vector.multi_reduction <add>, %reduce_sum3A_1214, %reduce_sum3A_1215 [1] : vector<1x128xf32> to vector<1xf32>
    %reduce_sum3A_1217 = vector.shape_cast %reduce_sum3A_1216 : vector<1xf32> to vector<1x1xf32>
    %reduce_sum3A_1218 = vector.extract %reduce_sum3A_1217[0, 0] : f32 from vector<1x1xf32>
    %add3A_1219 = arith.addf %add3A_1199, %reduce_sum3A_1218 : f32
    %slice3A_1220 = vector.extract_strided_slice %logistic3A_6 {offsets = [17, 0], sizes = [1, 256], strides = [1, 1]} : vector<32x256xf32> to vector<1x256xf32>
    %sub3A_1221 = vector.broadcast %slice3A_1220 : vector<1x256xf32> to vector<128x256xf32>
    %sub3A_1222 = arith.subf %sub3A_1221, %logistic3A_878 : vector<128x256xf32>
    %abs3A_1223 = math.absf %sub3A_1222 : vector<128x256xf32>
    %reduce_sum3A_1224 = arith.constant dense<0.000000e+00> : vector<128xf32>
    %reduce_sum3A_1225 = vector.multi_reduction <add>, %abs3A_1223, %reduce_sum3A_1224 [1] : vector<128x256xf32> to vector<128xf32>
    %neg3A_1226 = arith.constant 0.000000e+00 : f32
    %neg3A_1227 = vector.broadcast %neg3A_1226 : f32 to vector<128xf32>
    %neg3A_1228 = arith.subf %neg3A_1227, %reduce_sum3A_1225 : vector<128xf32>
    %exp3A_1229 = math.exp %neg3A_1228 : vector<128xf32>
    %log1p3A_1230 = math.log1p %exp3A_1229 : vector<128xf32>
    %neg3A_1231 = arith.constant 0.000000e+00 : f32
    %neg3A_1232 = vector.broadcast %neg3A_1231 : f32 to vector<128xf32>
    %neg3A_1233 = arith.subf %neg3A_1232, %log1p3A_1230 : vector<128xf32>
    %reduce_sum3A_1234 = vector.shape_cast %neg3A_1233 : vector<128xf32> to vector<1x128xf32>
    %reduce_sum3A_1235 = arith.constant dense<0.000000e+00> : vector<1xf32>
    %reduce_sum3A_1236 = vector.multi_reduction <add>, %reduce_sum3A_1234, %reduce_sum3A_1235 [1] : vector<1x128xf32> to vector<1xf32>
    %reduce_sum3A_1237 = vector.shape_cast %reduce_sum3A_1236 : vector<1xf32> to vector<1x1xf32>
    %reduce_sum3A_1238 = vector.extract %reduce_sum3A_1237[0, 0] : f32 from vector<1x1xf32>
    %add3A_1239 = arith.addf %add3A_1219, %reduce_sum3A_1238 : f32
    %slice3A_1240 = vector.extract_strided_slice %logistic3A_6 {offsets = [18, 0], sizes = [1, 256], strides = [1, 1]} : vector<32x256xf32> to vector<1x256xf32>
    %sub3A_1241 = vector.broadcast %slice3A_1240 : vector<1x256xf32> to vector<128x256xf32>
    %sub3A_1242 = arith.subf %sub3A_1241, %logistic3A_878 : vector<128x256xf32>
    %abs3A_1243 = math.absf %sub3A_1242 : vector<128x256xf32>
    %reduce_sum3A_1244 = arith.constant dense<0.000000e+00> : vector<128xf32>
    %reduce_sum3A_1245 = vector.multi_reduction <add>, %abs3A_1243, %reduce_sum3A_1244 [1] : vector<128x256xf32> to vector<128xf32>
    %neg3A_1246 = arith.constant 0.000000e+00 : f32
    %neg3A_1247 = vector.broadcast %neg3A_1246 : f32 to vector<128xf32>
    %neg3A_1248 = arith.subf %neg3A_1247, %reduce_sum3A_1245 : vector<128xf32>
    %exp3A_1249 = math.exp %neg3A_1248 : vector<128xf32>
    %log1p3A_1250 = math.log1p %exp3A_1249 : vector<128xf32>
    %neg3A_1251 = arith.constant 0.000000e+00 : f32
    %neg3A_1252 = vector.broadcast %neg3A_1251 : f32 to vector<128xf32>
    %neg3A_1253 = arith.subf %neg3A_1252, %log1p3A_1250 : vector<128xf32>
    %reduce_sum3A_1254 = vector.shape_cast %neg3A_1253 : vector<128xf32> to vector<1x128xf32>
    %reduce_sum3A_1255 = arith.constant dense<0.000000e+00> : vector<1xf32>
    %reduce_sum3A_1256 = vector.multi_reduction <add>, %reduce_sum3A_1254, %reduce_sum3A_1255 [1] : vector<1x128xf32> to vector<1xf32>
    %reduce_sum3A_1257 = vector.shape_cast %reduce_sum3A_1256 : vector<1xf32> to vector<1x1xf32>
    %reduce_sum3A_1258 = vector.extract %reduce_sum3A_1257[0, 0] : f32 from vector<1x1xf32>
    %add3A_1259 = arith.addf %add3A_1239, %reduce_sum3A_1258 : f32
    %slice3A_1260 = vector.extract_strided_slice %logistic3A_6 {offsets = [19, 0], sizes = [1, 256], strides = [1, 1]} : vector<32x256xf32> to vector<1x256xf32>
    %sub3A_1261 = vector.broadcast %slice3A_1260 : vector<1x256xf32> to vector<128x256xf32>
    %sub3A_1262 = arith.subf %sub3A_1261, %logistic3A_878 : vector<128x256xf32>
    %abs3A_1263 = math.absf %sub3A_1262 : vector<128x256xf32>
    %reduce_sum3A_1264 = arith.constant dense<0.000000e+00> : vector<128xf32>
    %reduce_sum3A_1265 = vector.multi_reduction <add>, %abs3A_1263, %reduce_sum3A_1264 [1] : vector<128x256xf32> to vector<128xf32>
    %neg3A_1266 = arith.constant 0.000000e+00 : f32
    %neg3A_1267 = vector.broadcast %neg3A_1266 : f32 to vector<128xf32>
    %neg3A_1268 = arith.subf %neg3A_1267, %reduce_sum3A_1265 : vector<128xf32>
    %exp3A_1269 = math.exp %neg3A_1268 : vector<128xf32>
    %log1p3A_1270 = math.log1p %exp3A_1269 : vector<128xf32>
    %neg3A_1271 = arith.constant 0.000000e+00 : f32
    %neg3A_1272 = vector.broadcast %neg3A_1271 : f32 to vector<128xf32>
    %neg3A_1273 = arith.subf %neg3A_1272, %log1p3A_1270 : vector<128xf32>
    %reduce_sum3A_1274 = vector.shape_cast %neg3A_1273 : vector<128xf32> to vector<1x128xf32>
    %reduce_sum3A_1275 = arith.constant dense<0.000000e+00> : vector<1xf32>
    %reduce_sum3A_1276 = vector.multi_reduction <add>, %reduce_sum3A_1274, %reduce_sum3A_1275 [1] : vector<1x128xf32> to vector<1xf32>
    %reduce_sum3A_1277 = vector.shape_cast %reduce_sum3A_1276 : vector<1xf32> to vector<1x1xf32>
    %reduce_sum3A_1278 = vector.extract %reduce_sum3A_1277[0, 0] : f32 from vector<1x1xf32>
    %add3A_1279 = arith.addf %add3A_1259, %reduce_sum3A_1278 : f32
    %slice3A_1280 = vector.extract_strided_slice %logistic3A_6 {offsets = [20, 0], sizes = [1, 256], strides = [1, 1]} : vector<32x256xf32> to vector<1x256xf32>
    %sub3A_1281 = vector.broadcast %slice3A_1280 : vector<1x256xf32> to vector<128x256xf32>
    %sub3A_1282 = arith.subf %sub3A_1281, %logistic3A_878 : vector<128x256xf32>
    %abs3A_1283 = math.absf %sub3A_1282 : vector<128x256xf32>
    %reduce_sum3A_1284 = arith.constant dense<0.000000e+00> : vector<128xf32>
    %reduce_sum3A_1285 = vector.multi_reduction <add>, %abs3A_1283, %reduce_sum3A_1284 [1] : vector<128x256xf32> to vector<128xf32>
    %neg3A_1286 = arith.constant 0.000000e+00 : f32
    %neg3A_1287 = vector.broadcast %neg3A_1286 : f32 to vector<128xf32>
    %neg3A_1288 = arith.subf %neg3A_1287, %reduce_sum3A_1285 : vector<128xf32>
    %exp3A_1289 = math.exp %neg3A_1288 : vector<128xf32>
    %log1p3A_1290 = math.log1p %exp3A_1289 : vector<128xf32>
    %neg3A_1291 = arith.constant 0.000000e+00 : f32
    %neg3A_1292 = vector.broadcast %neg3A_1291 : f32 to vector<128xf32>
    %neg3A_1293 = arith.subf %neg3A_1292, %log1p3A_1290 : vector<128xf32>
    %reduce_sum3A_1294 = vector.shape_cast %neg3A_1293 : vector<128xf32> to vector<1x128xf32>
    %reduce_sum3A_1295 = arith.constant dense<0.000000e+00> : vector<1xf32>
    %reduce_sum3A_1296 = vector.multi_reduction <add>, %reduce_sum3A_1294, %reduce_sum3A_1295 [1] : vector<1x128xf32> to vector<1xf32>
    %reduce_sum3A_1297 = vector.shape_cast %reduce_sum3A_1296 : vector<1xf32> to vector<1x1xf32>
    %reduce_sum3A_1298 = vector.extract %reduce_sum3A_1297[0, 0] : f32 from vector<1x1xf32>
    %add3A_1299 = arith.addf %add3A_1279, %reduce_sum3A_1298 : f32
    %slice3A_1300 = vector.extract_strided_slice %logistic3A_6 {offsets = [21, 0], sizes = [1, 256], strides = [1, 1]} : vector<32x256xf32> to vector<1x256xf32>
    %sub3A_1301 = vector.broadcast %slice3A_1300 : vector<1x256xf32> to vector<128x256xf32>
    %sub3A_1302 = arith.subf %sub3A_1301, %logistic3A_878 : vector<128x256xf32>
    %abs3A_1303 = math.absf %sub3A_1302 : vector<128x256xf32>
    %reduce_sum3A_1304 = arith.constant dense<0.000000e+00> : vector<128xf32>
    %reduce_sum3A_1305 = vector.multi_reduction <add>, %abs3A_1303, %reduce_sum3A_1304 [1] : vector<128x256xf32> to vector<128xf32>
    %neg3A_1306 = arith.constant 0.000000e+00 : f32
    %neg3A_1307 = vector.broadcast %neg3A_1306 : f32 to vector<128xf32>
    %neg3A_1308 = arith.subf %neg3A_1307, %reduce_sum3A_1305 : vector<128xf32>
    %exp3A_1309 = math.exp %neg3A_1308 : vector<128xf32>
    %log1p3A_1310 = math.log1p %exp3A_1309 : vector<128xf32>
    %neg3A_1311 = arith.constant 0.000000e+00 : f32
    %neg3A_1312 = vector.broadcast %neg3A_1311 : f32 to vector<128xf32>
    %neg3A_1313 = arith.subf %neg3A_1312, %log1p3A_1310 : vector<128xf32>
    %reduce_sum3A_1314 = vector.shape_cast %neg3A_1313 : vector<128xf32> to vector<1x128xf32>
    %reduce_sum3A_1315 = arith.constant dense<0.000000e+00> : vector<1xf32>
    %reduce_sum3A_1316 = vector.multi_reduction <add>, %reduce_sum3A_1314, %reduce_sum3A_1315 [1] : vector<1x128xf32> to vector<1xf32>
    %reduce_sum3A_1317 = vector.shape_cast %reduce_sum3A_1316 : vector<1xf32> to vector<1x1xf32>
    %reduce_sum3A_1318 = vector.extract %reduce_sum3A_1317[0, 0] : f32 from vector<1x1xf32>
    %add3A_1319 = arith.addf %add3A_1299, %reduce_sum3A_1318 : f32
    %slice3A_1320 = vector.extract_strided_slice %logistic3A_6 {offsets = [22, 0], sizes = [1, 256], strides = [1, 1]} : vector<32x256xf32> to vector<1x256xf32>
    %sub3A_1321 = vector.broadcast %slice3A_1320 : vector<1x256xf32> to vector<128x256xf32>
    %sub3A_1322 = arith.subf %sub3A_1321, %logistic3A_878 : vector<128x256xf32>
    %abs3A_1323 = math.absf %sub3A_1322 : vector<128x256xf32>
    %reduce_sum3A_1324 = arith.constant dense<0.000000e+00> : vector<128xf32>
    %reduce_sum3A_1325 = vector.multi_reduction <add>, %abs3A_1323, %reduce_sum3A_1324 [1] : vector<128x256xf32> to vector<128xf32>
    %neg3A_1326 = arith.constant 0.000000e+00 : f32
    %neg3A_1327 = vector.broadcast %neg3A_1326 : f32 to vector<128xf32>
    %neg3A_1328 = arith.subf %neg3A_1327, %reduce_sum3A_1325 : vector<128xf32>
    %exp3A_1329 = math.exp %neg3A_1328 : vector<128xf32>
    %log1p3A_1330 = math.log1p %exp3A_1329 : vector<128xf32>
    %neg3A_1331 = arith.constant 0.000000e+00 : f32
    %neg3A_1332 = vector.broadcast %neg3A_1331 : f32 to vector<128xf32>
    %neg3A_1333 = arith.subf %neg3A_1332, %log1p3A_1330 : vector<128xf32>
    %reduce_sum3A_1334 = vector.shape_cast %neg3A_1333 : vector<128xf32> to vector<1x128xf32>
    %reduce_sum3A_1335 = arith.constant dense<0.000000e+00> : vector<1xf32>
    %reduce_sum3A_1336 = vector.multi_reduction <add>, %reduce_sum3A_1334, %reduce_sum3A_1335 [1] : vector<1x128xf32> to vector<1xf32>
    %reduce_sum3A_1337 = vector.shape_cast %reduce_sum3A_1336 : vector<1xf32> to vector<1x1xf32>
    %reduce_sum3A_1338 = vector.extract %reduce_sum3A_1337[0, 0] : f32 from vector<1x1xf32>
    %add3A_1339 = arith.addf %add3A_1319, %reduce_sum3A_1338 : f32
    %slice3A_1340 = vector.extract_strided_slice %logistic3A_6 {offsets = [23, 0], sizes = [1, 256], strides = [1, 1]} : vector<32x256xf32> to vector<1x256xf32>
    %sub3A_1341 = vector.broadcast %slice3A_1340 : vector<1x256xf32> to vector<128x256xf32>
    %sub3A_1342 = arith.subf %sub3A_1341, %logistic3A_878 : vector<128x256xf32>
    %abs3A_1343 = math.absf %sub3A_1342 : vector<128x256xf32>
    %reduce_sum3A_1344 = arith.constant dense<0.000000e+00> : vector<128xf32>
    %reduce_sum3A_1345 = vector.multi_reduction <add>, %abs3A_1343, %reduce_sum3A_1344 [1] : vector<128x256xf32> to vector<128xf32>
    %neg3A_1346 = arith.constant 0.000000e+00 : f32
    %neg3A_1347 = vector.broadcast %neg3A_1346 : f32 to vector<128xf32>
    %neg3A_1348 = arith.subf %neg3A_1347, %reduce_sum3A_1345 : vector<128xf32>
    %exp3A_1349 = math.exp %neg3A_1348 : vector<128xf32>
    %log1p3A_1350 = math.log1p %exp3A_1349 : vector<128xf32>
    %neg3A_1351 = arith.constant 0.000000e+00 : f32
    %neg3A_1352 = vector.broadcast %neg3A_1351 : f32 to vector<128xf32>
    %neg3A_1353 = arith.subf %neg3A_1352, %log1p3A_1350 : vector<128xf32>
    %reduce_sum3A_1354 = vector.shape_cast %neg3A_1353 : vector<128xf32> to vector<1x128xf32>
    %reduce_sum3A_1355 = arith.constant dense<0.000000e+00> : vector<1xf32>
    %reduce_sum3A_1356 = vector.multi_reduction <add>, %reduce_sum3A_1354, %reduce_sum3A_1355 [1] : vector<1x128xf32> to vector<1xf32>
    %reduce_sum3A_1357 = vector.shape_cast %reduce_sum3A_1356 : vector<1xf32> to vector<1x1xf32>
    %reduce_sum3A_1358 = vector.extract %reduce_sum3A_1357[0, 0] : f32 from vector<1x1xf32>
    %add3A_1359 = arith.addf %add3A_1339, %reduce_sum3A_1358 : f32
    %slice3A_1360 = vector.extract_strided_slice %logistic3A_6 {offsets = [24, 0], sizes = [1, 256], strides = [1, 1]} : vector<32x256xf32> to vector<1x256xf32>
    %sub3A_1361 = vector.broadcast %slice3A_1360 : vector<1x256xf32> to vector<128x256xf32>
    %sub3A_1362 = arith.subf %sub3A_1361, %logistic3A_878 : vector<128x256xf32>
    %abs3A_1363 = math.absf %sub3A_1362 : vector<128x256xf32>
    %reduce_sum3A_1364 = arith.constant dense<0.000000e+00> : vector<128xf32>
    %reduce_sum3A_1365 = vector.multi_reduction <add>, %abs3A_1363, %reduce_sum3A_1364 [1] : vector<128x256xf32> to vector<128xf32>
    %neg3A_1366 = arith.constant 0.000000e+00 : f32
    %neg3A_1367 = vector.broadcast %neg3A_1366 : f32 to vector<128xf32>
    %neg3A_1368 = arith.subf %neg3A_1367, %reduce_sum3A_1365 : vector<128xf32>
    %exp3A_1369 = math.exp %neg3A_1368 : vector<128xf32>
    %log1p3A_1370 = math.log1p %exp3A_1369 : vector<128xf32>
    %neg3A_1371 = arith.constant 0.000000e+00 : f32
    %neg3A_1372 = vector.broadcast %neg3A_1371 : f32 to vector<128xf32>
    %neg3A_1373 = arith.subf %neg3A_1372, %log1p3A_1370 : vector<128xf32>
    %reduce_sum3A_1374 = vector.shape_cast %neg3A_1373 : vector<128xf32> to vector<1x128xf32>
    %reduce_sum3A_1375 = arith.constant dense<0.000000e+00> : vector<1xf32>
    %reduce_sum3A_1376 = vector.multi_reduction <add>, %reduce_sum3A_1374, %reduce_sum3A_1375 [1] : vector<1x128xf32> to vector<1xf32>
    %reduce_sum3A_1377 = vector.shape_cast %reduce_sum3A_1376 : vector<1xf32> to vector<1x1xf32>
    %reduce_sum3A_1378 = vector.extract %reduce_sum3A_1377[0, 0] : f32 from vector<1x1xf32>
    %add3A_1379 = arith.addf %add3A_1359, %reduce_sum3A_1378 : f32
    %slice3A_1380 = vector.extract_strided_slice %logistic3A_6 {offsets = [25, 0], sizes = [1, 256], strides = [1, 1]} : vector<32x256xf32> to vector<1x256xf32>
    %sub3A_1381 = vector.broadcast %slice3A_1380 : vector<1x256xf32> to vector<128x256xf32>
    %sub3A_1382 = arith.subf %sub3A_1381, %logistic3A_878 : vector<128x256xf32>
    %abs3A_1383 = math.absf %sub3A_1382 : vector<128x256xf32>
    %reduce_sum3A_1384 = arith.constant dense<0.000000e+00> : vector<128xf32>
    %reduce_sum3A_1385 = vector.multi_reduction <add>, %abs3A_1383, %reduce_sum3A_1384 [1] : vector<128x256xf32> to vector<128xf32>
    %neg3A_1386 = arith.constant 0.000000e+00 : f32
    %neg3A_1387 = vector.broadcast %neg3A_1386 : f32 to vector<128xf32>
    %neg3A_1388 = arith.subf %neg3A_1387, %reduce_sum3A_1385 : vector<128xf32>
    %exp3A_1389 = math.exp %neg3A_1388 : vector<128xf32>
    %log1p3A_1390 = math.log1p %exp3A_1389 : vector<128xf32>
    %neg3A_1391 = arith.constant 0.000000e+00 : f32
    %neg3A_1392 = vector.broadcast %neg3A_1391 : f32 to vector<128xf32>
    %neg3A_1393 = arith.subf %neg3A_1392, %log1p3A_1390 : vector<128xf32>
    %reduce_sum3A_1394 = vector.shape_cast %neg3A_1393 : vector<128xf32> to vector<1x128xf32>
    %reduce_sum3A_1395 = arith.constant dense<0.000000e+00> : vector<1xf32>
    %reduce_sum3A_1396 = vector.multi_reduction <add>, %reduce_sum3A_1394, %reduce_sum3A_1395 [1] : vector<1x128xf32> to vector<1xf32>
    %reduce_sum3A_1397 = vector.shape_cast %reduce_sum3A_1396 : vector<1xf32> to vector<1x1xf32>
    %reduce_sum3A_1398 = vector.extract %reduce_sum3A_1397[0, 0] : f32 from vector<1x1xf32>
    %add3A_1399 = arith.addf %add3A_1379, %reduce_sum3A_1398 : f32
    %slice3A_1400 = vector.extract_strided_slice %logistic3A_6 {offsets = [26, 0], sizes = [1, 256], strides = [1, 1]} : vector<32x256xf32> to vector<1x256xf32>
    %sub3A_1401 = vector.broadcast %slice3A_1400 : vector<1x256xf32> to vector<128x256xf32>
    %sub3A_1402 = arith.subf %sub3A_1401, %logistic3A_878 : vector<128x256xf32>
    %abs3A_1403 = math.absf %sub3A_1402 : vector<128x256xf32>
    %reduce_sum3A_1404 = arith.constant dense<0.000000e+00> : vector<128xf32>
    %reduce_sum3A_1405 = vector.multi_reduction <add>, %abs3A_1403, %reduce_sum3A_1404 [1] : vector<128x256xf32> to vector<128xf32>
    %neg3A_1406 = arith.constant 0.000000e+00 : f32
    %neg3A_1407 = vector.broadcast %neg3A_1406 : f32 to vector<128xf32>
    %neg3A_1408 = arith.subf %neg3A_1407, %reduce_sum3A_1405 : vector<128xf32>
    %exp3A_1409 = math.exp %neg3A_1408 : vector<128xf32>
    %log1p3A_1410 = math.log1p %exp3A_1409 : vector<128xf32>
    %neg3A_1411 = arith.constant 0.000000e+00 : f32
    %neg3A_1412 = vector.broadcast %neg3A_1411 : f32 to vector<128xf32>
    %neg3A_1413 = arith.subf %neg3A_1412, %log1p3A_1410 : vector<128xf32>
    %reduce_sum3A_1414 = vector.shape_cast %neg3A_1413 : vector<128xf32> to vector<1x128xf32>
    %reduce_sum3A_1415 = arith.constant dense<0.000000e+00> : vector<1xf32>
    %reduce_sum3A_1416 = vector.multi_reduction <add>, %reduce_sum3A_1414, %reduce_sum3A_1415 [1] : vector<1x128xf32> to vector<1xf32>
    %reduce_sum3A_1417 = vector.shape_cast %reduce_sum3A_1416 : vector<1xf32> to vector<1x1xf32>
    %reduce_sum3A_1418 = vector.extract %reduce_sum3A_1417[0, 0] : f32 from vector<1x1xf32>
    %add3A_1419 = arith.addf %add3A_1399, %reduce_sum3A_1418 : f32
    %slice3A_1420 = vector.extract_strided_slice %logistic3A_6 {offsets = [27, 0], sizes = [1, 256], strides = [1, 1]} : vector<32x256xf32> to vector<1x256xf32>
    %sub3A_1421 = vector.broadcast %slice3A_1420 : vector<1x256xf32> to vector<128x256xf32>
    %sub3A_1422 = arith.subf %sub3A_1421, %logistic3A_878 : vector<128x256xf32>
    %abs3A_1423 = math.absf %sub3A_1422 : vector<128x256xf32>
    %reduce_sum3A_1424 = arith.constant dense<0.000000e+00> : vector<128xf32>
    %reduce_sum3A_1425 = vector.multi_reduction <add>, %abs3A_1423, %reduce_sum3A_1424 [1] : vector<128x256xf32> to vector<128xf32>
    %neg3A_1426 = arith.constant 0.000000e+00 : f32
    %neg3A_1427 = vector.broadcast %neg3A_1426 : f32 to vector<128xf32>
    %neg3A_1428 = arith.subf %neg3A_1427, %reduce_sum3A_1425 : vector<128xf32>
    %exp3A_1429 = math.exp %neg3A_1428 : vector<128xf32>
    %log1p3A_1430 = math.log1p %exp3A_1429 : vector<128xf32>
    %neg3A_1431 = arith.constant 0.000000e+00 : f32
    %neg3A_1432 = vector.broadcast %neg3A_1431 : f32 to vector<128xf32>
    %neg3A_1433 = arith.subf %neg3A_1432, %log1p3A_1430 : vector<128xf32>
    %reduce_sum3A_1434 = vector.shape_cast %neg3A_1433 : vector<128xf32> to vector<1x128xf32>
    %reduce_sum3A_1435 = arith.constant dense<0.000000e+00> : vector<1xf32>
    %reduce_sum3A_1436 = vector.multi_reduction <add>, %reduce_sum3A_1434, %reduce_sum3A_1435 [1] : vector<1x128xf32> to vector<1xf32>
    %reduce_sum3A_1437 = vector.shape_cast %reduce_sum3A_1436 : vector<1xf32> to vector<1x1xf32>
    %reduce_sum3A_1438 = vector.extract %reduce_sum3A_1437[0, 0] : f32 from vector<1x1xf32>
    %add3A_1439 = arith.addf %add3A_1419, %reduce_sum3A_1438 : f32
    %slice3A_1440 = vector.extract_strided_slice %logistic3A_6 {offsets = [28, 0], sizes = [1, 256], strides = [1, 1]} : vector<32x256xf32> to vector<1x256xf32>
    %sub3A_1441 = vector.broadcast %slice3A_1440 : vector<1x256xf32> to vector<128x256xf32>
    %sub3A_1442 = arith.subf %sub3A_1441, %logistic3A_878 : vector<128x256xf32>
    %abs3A_1443 = math.absf %sub3A_1442 : vector<128x256xf32>
    %reduce_sum3A_1444 = arith.constant dense<0.000000e+00> : vector<128xf32>
    %reduce_sum3A_1445 = vector.multi_reduction <add>, %abs3A_1443, %reduce_sum3A_1444 [1] : vector<128x256xf32> to vector<128xf32>
    %neg3A_1446 = arith.constant 0.000000e+00 : f32
    %neg3A_1447 = vector.broadcast %neg3A_1446 : f32 to vector<128xf32>
    %neg3A_1448 = arith.subf %neg3A_1447, %reduce_sum3A_1445 : vector<128xf32>
    %exp3A_1449 = math.exp %neg3A_1448 : vector<128xf32>
    %log1p3A_1450 = math.log1p %exp3A_1449 : vector<128xf32>
    %neg3A_1451 = arith.constant 0.000000e+00 : f32
    %neg3A_1452 = vector.broadcast %neg3A_1451 : f32 to vector<128xf32>
    %neg3A_1453 = arith.subf %neg3A_1452, %log1p3A_1450 : vector<128xf32>
    %reduce_sum3A_1454 = vector.shape_cast %neg3A_1453 : vector<128xf32> to vector<1x128xf32>
    %reduce_sum3A_1455 = arith.constant dense<0.000000e+00> : vector<1xf32>
    %reduce_sum3A_1456 = vector.multi_reduction <add>, %reduce_sum3A_1454, %reduce_sum3A_1455 [1] : vector<1x128xf32> to vector<1xf32>
    %reduce_sum3A_1457 = vector.shape_cast %reduce_sum3A_1456 : vector<1xf32> to vector<1x1xf32>
    %reduce_sum3A_1458 = vector.extract %reduce_sum3A_1457[0, 0] : f32 from vector<1x1xf32>
    %add3A_1459 = arith.addf %add3A_1439, %reduce_sum3A_1458 : f32
    %slice3A_1460 = vector.extract_strided_slice %logistic3A_6 {offsets = [29, 0], sizes = [1, 256], strides = [1, 1]} : vector<32x256xf32> to vector<1x256xf32>
    %sub3A_1461 = vector.broadcast %slice3A_1460 : vector<1x256xf32> to vector<128x256xf32>
    %sub3A_1462 = arith.subf %sub3A_1461, %logistic3A_878 : vector<128x256xf32>
    %abs3A_1463 = math.absf %sub3A_1462 : vector<128x256xf32>
    %reduce_sum3A_1464 = arith.constant dense<0.000000e+00> : vector<128xf32>
    %reduce_sum3A_1465 = vector.multi_reduction <add>, %abs3A_1463, %reduce_sum3A_1464 [1] : vector<128x256xf32> to vector<128xf32>
    %neg3A_1466 = arith.constant 0.000000e+00 : f32
    %neg3A_1467 = vector.broadcast %neg3A_1466 : f32 to vector<128xf32>
    %neg3A_1468 = arith.subf %neg3A_1467, %reduce_sum3A_1465 : vector<128xf32>
    %exp3A_1469 = math.exp %neg3A_1468 : vector<128xf32>
    %log1p3A_1470 = math.log1p %exp3A_1469 : vector<128xf32>
    %neg3A_1471 = arith.constant 0.000000e+00 : f32
    %neg3A_1472 = vector.broadcast %neg3A_1471 : f32 to vector<128xf32>
    %neg3A_1473 = arith.subf %neg3A_1472, %log1p3A_1470 : vector<128xf32>
    %reduce_sum3A_1474 = vector.shape_cast %neg3A_1473 : vector<128xf32> to vector<1x128xf32>
    %reduce_sum3A_1475 = arith.constant dense<0.000000e+00> : vector<1xf32>
    %reduce_sum3A_1476 = vector.multi_reduction <add>, %reduce_sum3A_1474, %reduce_sum3A_1475 [1] : vector<1x128xf32> to vector<1xf32>
    %reduce_sum3A_1477 = vector.shape_cast %reduce_sum3A_1476 : vector<1xf32> to vector<1x1xf32>
    %reduce_sum3A_1478 = vector.extract %reduce_sum3A_1477[0, 0] : f32 from vector<1x1xf32>
    %add3A_1479 = arith.addf %add3A_1459, %reduce_sum3A_1478 : f32
    %slice3A_1480 = vector.extract_strided_slice %logistic3A_6 {offsets = [30, 0], sizes = [1, 256], strides = [1, 1]} : vector<32x256xf32> to vector<1x256xf32>
    %sub3A_1481 = vector.broadcast %slice3A_1480 : vector<1x256xf32> to vector<128x256xf32>
    %sub3A_1482 = arith.subf %sub3A_1481, %logistic3A_878 : vector<128x256xf32>
    %abs3A_1483 = math.absf %sub3A_1482 : vector<128x256xf32>
    %reduce_sum3A_1484 = arith.constant dense<0.000000e+00> : vector<128xf32>
    %reduce_sum3A_1485 = vector.multi_reduction <add>, %abs3A_1483, %reduce_sum3A_1484 [1] : vector<128x256xf32> to vector<128xf32>
    %neg3A_1486 = arith.constant 0.000000e+00 : f32
    %neg3A_1487 = vector.broadcast %neg3A_1486 : f32 to vector<128xf32>
    %neg3A_1488 = arith.subf %neg3A_1487, %reduce_sum3A_1485 : vector<128xf32>
    %exp3A_1489 = math.exp %neg3A_1488 : vector<128xf32>
    %log1p3A_1490 = math.log1p %exp3A_1489 : vector<128xf32>
    %neg3A_1491 = arith.constant 0.000000e+00 : f32
    %neg3A_1492 = vector.broadcast %neg3A_1491 : f32 to vector<128xf32>
    %neg3A_1493 = arith.subf %neg3A_1492, %log1p3A_1490 : vector<128xf32>
    %reduce_sum3A_1494 = vector.shape_cast %neg3A_1493 : vector<128xf32> to vector<1x128xf32>
    %reduce_sum3A_1495 = arith.constant dense<0.000000e+00> : vector<1xf32>
    %reduce_sum3A_1496 = vector.multi_reduction <add>, %reduce_sum3A_1494, %reduce_sum3A_1495 [1] : vector<1x128xf32> to vector<1xf32>
    %reduce_sum3A_1497 = vector.shape_cast %reduce_sum3A_1496 : vector<1xf32> to vector<1x1xf32>
    %reduce_sum3A_1498 = vector.extract %reduce_sum3A_1497[0, 0] : f32 from vector<1x1xf32>
    %add3A_1499 = arith.addf %add3A_1479, %reduce_sum3A_1498 : f32
    %slice3A_1500 = vector.extract_strided_slice %logistic3A_6 {offsets = [31, 0], sizes = [1, 256], strides = [1, 1]} : vector<32x256xf32> to vector<1x256xf32>
    %sub3A_1501 = vector.broadcast %slice3A_1500 : vector<1x256xf32> to vector<128x256xf32>
    %sub3A_1502 = arith.subf %sub3A_1501, %logistic3A_878 : vector<128x256xf32>
    %abs3A_1503 = math.absf %sub3A_1502 : vector<128x256xf32>
    %reduce_sum3A_1504 = arith.constant dense<0.000000e+00> : vector<128xf32>
    %reduce_sum3A_1505 = vector.multi_reduction <add>, %abs3A_1503, %reduce_sum3A_1504 [1] : vector<128x256xf32> to vector<128xf32>
    %neg3A_1506 = arith.constant 0.000000e+00 : f32
    %neg3A_1507 = vector.broadcast %neg3A_1506 : f32 to vector<128xf32>
    %neg3A_1508 = arith.subf %neg3A_1507, %reduce_sum3A_1505 : vector<128xf32>
    %exp3A_1509 = math.exp %neg3A_1508 : vector<128xf32>
    %log1p3A_1510 = math.log1p %exp3A_1509 : vector<128xf32>
    %neg3A_1511 = arith.constant 0.000000e+00 : f32
    %neg3A_1512 = vector.broadcast %neg3A_1511 : f32 to vector<128xf32>
    %neg3A_1513 = arith.subf %neg3A_1512, %log1p3A_1510 : vector<128xf32>
    %reduce_sum3A_1514 = vector.shape_cast %neg3A_1513 : vector<128xf32> to vector<1x128xf32>
    %reduce_sum3A_1515 = arith.constant dense<0.000000e+00> : vector<1xf32>
    %reduce_sum3A_1516 = vector.multi_reduction <add>, %reduce_sum3A_1514, %reduce_sum3A_1515 [1] : vector<1x128xf32> to vector<1xf32>
    %reduce_sum3A_1517 = vector.shape_cast %reduce_sum3A_1516 : vector<1xf32> to vector<1x1xf32>
    %reduce_sum3A_1518 = vector.extract %reduce_sum3A_1517[0, 0] : f32 from vector<1x1xf32>
    %add3A_1519 = arith.addf %add3A_1499, %reduce_sum3A_1518 : f32
    %mul3A_1520 = arith.constant 2.500000e-01 : f32
    %mul3A_1521 = arith.mulf %add3A_869, %mul3A_1520 : f32
    %sub3A_1522 = arith.subf %add3A_1519, %mul3A_1521 : f32
    %swap3A_1523 = arith.constant 0 : index
    %swap3A_1524 = memref.load %arg2[%swap3A_1523] : memref<1xf32, #tpu.memory_space<smem>>
    memref.store %sub3A_1522, %arg2[%swap3A_1523] : memref<1xf32, #tpu.memory_space<smem>>
    return
  }
}

</mosaic_0001>

<sc_bundles>
// kernel: kernel.5.cloned.1.call-start
scs
__scs_entry_jumppad:
0x0: {  	(pc) =	sbr.rel $0x88, $3  }
0x1: {  	(tag) =	ssettag $0x0;
	lr =	simm.s32 $0x1  }
0x2: {  	[smem:$0x3F99] =	sst lr;
	_ =	strace $0xD0000000  }
0x3: {  	_ = 	snop  }
0x4: {  	_ = 	snop  }
0x5: {  	_ = 	snop  }
0x6: {  	_ = 	snop  }
0x7: {  	_ = 	snop  }
__scs_overlays_trampoline_lowered:
0x8: {  	[smem:$0x3FA8] =	sst s0  }
0x9: {  	[smem:$0x3FA9] =	sst s1  }
0xa: {  	[smem:$0x3FAA] =	sst s2  }
0xb: {  	[smem:$0x3FAB] =	sst s3  }
0xc: {  	[smem:$0x3FAC] =	sst s4  }
0xd: {  	[smem:$0x3FAD] =	sst s5  }
0xe: {  	[smem:$0x3FAE] =	sst s6  }
0xf: {  	[smem:$0x3FAF] =	sst s7  }
0x10: {  	[smem:$0x3FB0] =	sst s8  }
0x11: {  	[smem:$0x3FB1] =	sst s9;
	s0 =	simm.s32 @!p0 $0x0  }
0x12: {  	s1 =	sld [smem:$0x3F97];
	s0 =	simm.s32 @p0 $0x1  }
0x13: {  	[smem:$0x3FB2] =	sst s0;
	s0 =	simm.s32 @!p1 $0x0  }
0x14: {  	s2 =	sld [smem:$0x3F96];
	s0 =	simm.s32 @p1 $0x1  }
0x15: {  	[smem:$0x3FB3] =	sst s0;
	s0 =	simm.s32 @!p2 $0x0  }
0x16: {  	s3 =	sld [smem:$0x3FDB];
	s0 =	simm.s32 @p2 $0x1  }
0x17: {  	s4 =	simm.s32 $0x1BF5;
	[smem:$0x3FB5] =	sst s0  }
0x18: {  	s0 =	sld [smem:$0x3F98];
	_ =	swait.ge [sflag:s4], $0x0  }
0x19: {  	s7 =	sld [smem:$0x3F99]  }
0x1a: {  	s8 =	sadd.s32 $0xFFFFE003, lr  }
0x1b: {  	s9 =	sadd.s32 $0xFFFFFEF7, lr;
	s5 =	simm.s32 $0xFFFFFFFF;
	p2 =	slt.u32 s8, $0xFFFFF086  }
0x1c: {  	p1 =	slt.u32 s9, $0xF7A;
	s5 =	simm.s32 @!p2 $0x0  }
0x1d: {  	s5 =	simm.s32 @p1 $0x1;
	p0 =	seq.s32 s7, s2  }
0x1e: {  	s7 =	smul.u32 @!p0 $0xF7A, s2;
	p2 =	seq.s32 @!p0 s5, $0x0  }
0x1f: {  	s9 =	smul.u32 $0xF7A, s1;
	s8 =	simm.s32 @!p0 $0x1BF5;
	p2 =	por !p2, p0  }
0x20: {  	[sflag:s8] =	ssyncset.s32 @!p0 $0xFFFFF086;
	s6 =	sadd.s32 @!p0 s3, s7;
	s7 =	simm.s32 @!p0 $0x108  }
0x21: {  	s3 =	sadd.s32 s3, s9;
	s6 =	sadd.s32 @!p0 $0x88, s6;
	s7 =	simm.s32 @p2 $0x1082  }
0x22: {  	[simem:s7], [sflag:s8] =	dma.local @!p0 [hbm:s6], $0xF7A  }
0x23: {  	s9 =	sor.u32 $0xD0000000, s2;
	s6 =	simm.s32 $0x108;
	_ =	swait.ge @!p0 [sflag:s8], $0x0  }
0x24: {  	s3 =	sadd.s32 $0x88, s3;
	s6 =	simm.s32 @!p1 $0x1082;
	[sflag:s4] =	ssyncset.s32 $0xFFFFF086  }
0x25: {  	[simem:s6], [sflag:s4] =	dma.local [hbm:s3], $0xF7A  }
0x26: {  	[smem:$0x3F99] =	sst s1;
	(tag) =	ssettag s2;
	_ =	strace s9  }
0x27: {  	s1 =	sld [smem:$0x3FA9]  }
0x28: {  	s2 =	sld [smem:$0x3FAA]  }
0x29: {  	s4 =	sld [smem:$0x3FAC]  }
0x2a: {  	p0 =	seq.s32 s5, $0x0;
	s5 =	sld [smem:$0x3FAD]  }
0x2b: {  	s6 =	sld [smem:$0x3FAE]  }
0x2c: {  	s7 =	sld [smem:$0x3FAF]  }
0x2d: {  	s3 =	simm.s32 $0x108;
	s8 =	sld [smem:$0x3FB0]  }
0x2e: {  	s3 =	simm.s32 @!p0 $0x1082;
	s9 =	sld [smem:$0x3FB1]  }
0x2f: {  	lr =	sadd.s32 s0, s3;
	s0 =	sld [smem:$0x3FA8]  }
0x30: {  	s3 =	sld [smem:$0x3FAB]  }
0x31: {  	[smem:$0x3FB4] =	sst s10  }
0x32: {  	s10 =	sld [smem:$0x3FB2];
	_ =	sdelay $0x3  }
0x33: {  	p0 =	seq.s32 s10, $0x1;
	s10 =	sld [smem:$0x3FB4];
	_ =	sdelay $0x3  }
0x34: {  	[smem:$0x3FB4] =	sst s10  }
0x35: {  	s10 =	sld [smem:$0x3FB3];
	_ =	sdelay $0x3  }
0x36: {  	p1 =	seq.s32 s10, $0x1;
	s10 =	sld [smem:$0x3FB4];
	_ =	sdelay $0x3  }
0x37: {  	[smem:$0x3FB4] =	sst s10  }
0x38: {  	s10 =	sld [smem:$0x3FB5]  }
0x39: {  	_ = 	snop;
	(pc) =	sbr.ind lr, $3  }
0x3a: {  	_ = 	snop  }
0x3b: {  	_ = 	snop  }
0x3c: {  	p2 =	seq.s32 s10, $0x1;
	s10 =	sld [smem:$0x3FB4]  }
0x3d: {  	_ =	shalt  }
0x3e: {  	_ =	shalt  }
0x3f: {  	_ =	shalt  }
0x40: {  	_ =	shalt  }
0x41: {  	_ =	shalt  }
0x42: {  	_ =	shalt  }
0x43: {  	_ =	shalt  }
0x44: {  	_ =	shalt  }
0x45: {  	_ =	shalt  }
0x46: {  	_ =	shalt  }
0x47: {  	_ =	shalt  }
0x48: {  	_ =	shalt  }
0x49: {  	_ =	shalt  }
0x4a: {  	_ =	shalt  }
0x4b: {  	_ =	shalt  }
0x4c: {  	_ =	shalt  }
0x4d: {  	_ =	shalt  }
0x4e: {  	_ =	shalt  }
0x4f: {  	_ =	shalt  }
0x50: {  	_ =	shalt  }
0x51: {  	_ =	shalt  }
0x52: {  	_ =	shalt  }
0x53: {  	_ =	shalt  }
0x54: {  	_ =	shalt  }
0x55: {  	_ =	shalt  }
0x56: {  	_ =	shalt  }
0x57: {  	_ =	shalt  }
0x58: {  	_ =	shalt  }
0x59: {  	_ =	shalt  }
0x5a: {  	_ =	shalt  }
0x5b: {  	_ =	shalt  }
0x5c: {  	_ =	shalt  }
0x5d: {  	_ =	shalt  }
0x5e: {  	_ =	shalt  }
0x5f: {  	_ =	shalt  }
0x60: {  	_ =	shalt  }
0x61: {  	_ =	shalt  }
0x62: {  	_ =	shalt  }
0x63: {  	_ =	shalt  }
0x64: {  	_ =	shalt  }
0x65: {  	_ =	shalt  }
0x66: {  	_ =	shalt  }
0x67: {  	_ =	shalt  }
0x68: {  	_ =	shalt  }
0x69: {  	_ =	shalt  }
0x6a: {  	_ =	shalt  }
0x6b: {  	_ =	shalt  }
0x6c: {  	_ =	shalt  }
0x6d: {  	_ =	shalt  }
0x6e: {  	_ =	shalt  }
0x6f: {  	_ =	shalt  }
0x70: {  	_ =	shalt  }
0x71: {  	_ =	shalt  }
0x72: {  	_ =	shalt  }
0x73: {  	_ =	shalt  }
0x74: {  	_ =	shalt  }
0x75: {  	_ =	shalt  }
0x76: {  	_ =	shalt  }
0x77: {  	_ =	shalt  }
0x78: {  	_ =	shalt  }
0x79: {  	_ =	shalt  }
0x7a: {  	_ =	shalt  }
0x7b: {  	_ =	shalt  }
0x7c: {  	_ =	shalt  }
0x7d: {  	_ =	shalt  }
0x7e: {  	_ =	shalt  }
0x7f: {  	_ =	shalt  }
0x80: {  	_ =	shalt  }
0x81: {  	_ =	shalt  }
0x82: {  	_ =	shalt  }
0x83: {  	_ =	shalt  }
0x84: {  	_ =	shalt  }
0x85: {  	_ =	shalt  }
0x86: {  	_ =	shalt  }
0x87: {  	_ =	shalt  }
.Lfunc_end0:
.L_simem_size_0:
called_computation_lowered:
.L_overlay_start_0:
0x88: {  	s2 =	sld [smem:$0x3FD9]  }
0x89: {  	s3 =	sld [smem:$0x3FFE];
	_ =	sdelay $0x1  }
0x8a: {  	s1 =	srdreg.scid  }
0x8b: {  	s0 =	sand.u32 $0x1, s1  }
0x8c: {  	s17 =	sshll.u32 s0, $0xA;
	s2 =	sadd.s32 s3, s2  }
0x8d: {  	s2 =	sadd.s32 s2, s17  }
0x8e: {  	[smem:$0x3FC0] =	sst s2  }
0x8f: {  	_ = 	snop  }
0x90: {  	s2 =	sld [smem:$0x3FC9];
	(tm) =	ssettm $0x1  }
0x91: {  	s18 =	sld [smem:$0x3FFB];
	_ =	sdelay $0x3  }
0x92: {  	_ =	strace s18  }
0x93: {  	s3 =	sld [smem:$0x3FFC];
	_ =	sdelay $0x3  }
0x94: {  	_ =	strace s3  }
0x95: {  	s3 =	sld [smem:$0x3FFD];
	_ =	sdelay $0x3  }
0x96: {  	_ =	strace s3  }
0x97: {  	_ =	strace $0x8FFFFFFF  }
0x98: {  	s19 =	sld [smem:$0x3FDB];
	_ =	sdelay $0x1  }
0x99: {  	s4 =	simm.s32 $_scs_section_size  }
0x9a: {  	s5 =	simm.s32 $_size__tile_overlayer_lowered;
	s6 =	simm.s32 $_tile_overlayer_lowered  }
0x9b: {  	s22 =	simm.s32 $0x1BFF;
	s21 =	sshll.u32 s6, $0x1;
	s3 =	sadd.s32 s4, s19  }
0x9c: {  	s7 =	simm.s32 $0x0;
	s20 =	sshll.u32 s5, $0x1;
	s5 =	sadd.s32 s21, s3  }
0x9d: {  	[timem:s7], [sflag:s22] =	dma.local [hbm:s5], s20  }
0x9e: {  	_ =	swait.ge [sflag:s22], s20  }
0x9f: {  	s4 =	ssub.s32 $0x0, s20;
	[sflag:s22] =	ssyncset.done $0x0  }
0xa0: {  	[sflag:s22] =	ssyncadd.s32 s4;
	_ =	sdelay $0x1  }
0xa1: {  	s23 =	simm.s32 $0x1B8B  }
0xa2: {  	_ =	swait.ge [sflag:s23], $0x1  }
0xa3: {  	[sflag:s23] =	ssyncset.done $0x0  }
0xa4: {  	s25 =	simm.s32 $0x1B8E;
	s24 =	sld [smem:$0x3FFE];
	[sflag:s23] =	ssyncadd.s32 $0xFFFFFFFF  }
0xa5: {  	s26 =	simm.s32 $execute0_lowered;
	[smem:$0x3FD2] =	sst s25  }
0xa6: {  	s5 =	sshll.u32 s26, $0x1;
	_ =	strace $0x80000046;
	[dreg:$0x1] =	wrdreg $0xFFFFFFFF  }
0xa7: {  	s28 =	simm.s32 $_size_execute0_lowered;
	s3 =	sadd.s32 s3, s5;
	[dreg:$0x0] =	wrdreg $0x0  }
0xa8: {  	s5 =	sshll.u32 s28, $0x1;
	[dreg:$0x2] =	wrdreg s3  }
0xa9: {  	[dreg:$0x3] =	wrdreg s5  }
0xaa: {  	[dreg:$0x4] =	wrdreg $0xC0  }
0xab: {  	_ =	task [dreg:s7], $0x5FFFF  }
0xac: {  	[dreg:$0x1] =	wrdreg $0xFFFFFFFF  }
0xad: {  	[dreg:$0x0] =	wrdreg $0x60  }
0xae: {  	[dreg:$0x2] =	wrdreg s2  }
0xaf: {  	[dreg:$0x3] =	wrdreg s24  }
0xb0: {  	[dreg:$0x4] =	wrdreg $0x9  }
0xb1: {  	_ =	task.clear_ibuf [dreg:s7], $0x5FFFF;
	_ =	strace $0x90000046  }
0xb2: {  	s29 =	simm.s32 $0x9;
	_ =	strace $0x80000048  }
0xb3: {  	_ =	swait.ge [sflag:s29], $0x1  }
0xb4: {  	[sflag:s29] =	ssyncadd.s32 $0xFFFFFFFF  }
0xb5: {  	_ =	strace $0x90000048  }
0xb6: {  	_ =	sfence  }
0xb7: {  	s30 =	sld [smem:$0x0];
	_ =	sdelay $0x2  }
0xb8: {  	s31 =	sshll.u32 s1, $0xD;
	s1 =	sshrl.u32 s1, $0x2  }
0xb9: {  	s3 =	sand.u32 $0x4000, s31;
	s1 =	sadd.s32 s1, s30  }
0xba: {  	s0 =	sor.u32 s3, s0;
	s1 =	sshll.u32 s1, $0x11  }
0xbb: {  	s0 =	sor.u32 s1, s0  }
0xbc: {  	s0 =	sadd.s32 $0x8F2B, s0  }
0xbd: {  	[sflag:s0] =	ssyncadd.remote.s32 $0x1  }
0xbe: {  	_ =	sfence.sel $0xFFFF  }
0xbf: {  	[dreg:$0x0] =	wrdreg $0xFFFFFFFF;
	(pc) =	sbr.abs _section_cstart, $3  }
0xc0: {  	[dreg:$0x1] =	wrdreg $0xFFFFFFFF  }
0xc1: {  	_ =	task.clear_ibuf [dreg:s7], $0x2FFFF;
	_ =	strace $0x9FFFFFFF  }
0xc2: {  	(tm) =	ssettm $0x7FFFFFFF  }
0xc3: {  	_ =	shalt  }
tec
execute0_lowered:
.L_overlay_start_1:
0x0: {  	(tag) =	ssettag $0x1  }
0x1: {  	s1 =	srdreg.scid;
	s2 =	rddreg [dreg:$0x0]  }
0x2: {  	s0 =	stileid.u32;
	s5 =	rddreg [dreg:$0x1];
	s3 =	simm.s32 $0x0  }
0x3: {  	s8 =	simm.s32 $0x80;
	s4 =	sand.u32 $0x1, s1;
	s30 =	sshll.u32 s0, $0x1  }
0x4: {  	s9 =	simm.s32 $0x880;
	s10 =	simm.s32 $0x1080;
	s6 =	sor.u32 s4, s30  }
0x5: {  	s11 =	simm.s32 $0x1;
	s1 =	rddreg [dreg:$0x2];
	s7 =	smul.u32 $0x3, s6  }
0x6: {  	[smem:$0x7FF] =	sst s3;
	s4 =	ssub.s32 $0x2, s4;
	s6 =	smul.u32 $0x300, s6  }
0x7: {  	v2 =	vlaneseq.u32;
	_ =	strace $0x80000047;
	s31 =	sshrl.u32 s4, $0x1;
	s7 =	sadd.s32 s7, s5  }
0x8: {  	vm0 =	vmmov $0xffff;
	v1 =	vshrl.u32 v2, $0x3;
	s5 =	sadd.s32 s6, s5;
	s6 =	ssub.s32 s4, s31;
	s4 =	sadd.s32 $0xE00, s7  }
0x9: {  	v0 =	vand.u32 $0x7, v2;
	v2 =	vor.u32 $0x8, v2;
	v1 =	vmul.u32 $0x8, v1;
	s5 =	sadd.s32 $0x1000, s5;
	s6 =	smax.u32 s6, $0x1;
	s7 =	simm.s32 $0x2  }
.LBB2_1:
0xa: {  	[tilespmem:s3], [sflag:$0x2] =	stream.linear.gather [hbm4b:s4+s3], $0x18, $0x38;
	[tilespmem:$0x1880] =	vst v63  }
0xb: {  	_ =	swait.ge [sflag:s7], $0x18  }
0xc: {  	[sflag:s7] =	ssyncset.done $0x0  }
0xd: {  	[sflag:s7] =	ssyncadd.s32 $0xFFFFFFE8  }
0xe: {  	v3 =	vld [tilespmem:$0x0];
	_ =	sdelay $0x4  }
0xf: {  	v4 =	vshll.u32 v3, $0x1  }
0x10: {  	v3 =	vand.u32 $0x7, v3;
	v4 =	vand.u32 $0xFFFFFFF0, v4  }
0x11: {  	v3 =	vor.u32 v3, v4  }
0x12: {  	v4 =	vperm.xlane v3, v0;
	_ =	sdelay $0x1  }
0x13: {  	v3 =	vperm.xlane v3, v2;
	v4 =	vadd.s32 v1, v4;
	_ =	sdelay $0x1  }
0x14: {  	v3 =	vadd.s32 v1, v3;
	_ =	sdelay $0x2  }
0x15: {  	[tilespmem:s8], [sflag:$0x1] =	stream.indirect_vreg.gather [hbm4b:s2+s3], $0x80, v4, vm0, $0xb8;
	[tilespmem:$0x1880] =	vst v63  }
0x16: {  	_ = 	snop  }
0x17: {  	[tilespmem:s9], [sflag:$0x1] =	stream.indirect_vreg.gather [hbm4b:s2+s3], $0x80, v3, vm0, $0xb8;
	[tilespmem:$0x1880] =	vst v63  }
0x18: {  	v3 =	vld.msk [tilespmem:$0x10], $0xff;
	_ =	sdelay $0x4  }
0x19: {  	v63 =	vshll.u32 v3, $0x1  }
0x1a: {  	v3 =	vand.u32 $0x7, v3;
	v4 =	vand.u32 $0xFFFFFFF0, v63  }
0x1b: {  	v3 =	vor.u32 v3, v4  }
0x1c: {  	v3 =	vperm.xlane v3, v0;
	_ =	sdelay $0x1  }
0x1d: {  	v3 =	vadd.s32 v1, v3;
	_ =	sdelay $0x4  }
0x1e: {  	[tilespmem:s10], [sflag:$0x1] =	stream.indirect_vreg.gather [hbm4b:s2+s3], $0x80, v3, vm0, $0xb8;
	[tilespmem:$0x1880] =	vst v63  }
0x1f: {  	_ =	swait.ge [sflag:s11], $0x1800  }
0x20: {  	p0 =	sne.s32 s6, $0x1;
	[sflag:s11] =	ssyncset.done $0x0  }
.Ltmp0:
0x21: {  	[sflag:s11] =	ssyncadd.s32 $0xFFFFE800;
	(pc) =	sbr.rel @p0 .LBB2_1-.Ltmp0, $4  }
0x22: {  	[hbm4b:s5+s3] =	stream.linear.scatter [tilespmem:s8], [sflag:$0x2], $0x1800, $0x38;
	[tilespmem:$0x1880] =	vst v63  }
0x23: {  	_ =	swait.ge [sflag:s7], $0x1800  }
0x24: {  	[sflag:s7] =	ssyncset.done $0x0  }
0x25: {  	s6 =	sadd.s32 $0xFFFFFFFF, s6;
	[sflag:s7] =	ssyncadd.s32 $0xFFFFE800  }
0x26: {  	_ =	sfence.sel $0x180000  }
0x27: {  	[bflag:$0x0] =	sbarrier.arrive $0xFFFF  }
0x28: {  	p0 =	sne.s32 s0, $0x0;
	_ =	strace $0x90000047  }
0x29: {  	s0 =	sadd.s32 @!p0 $0x100000, s1;
	[bflag:$0x2] =	sbarrier.arrive $0xFFFF  }
0x2a: {  	[sflag:s0] =	ssyncadd.tile.s32 @!p0 $0x1;
	_ =	shalt  }
.Lfunc_end2:
_tile_overlayer_lowered:
.L_overlay_start_2:
0x2b: {  	(tag) =	ssettag $0x2  }
0x2c: {  	s0 =	rddreg [dreg:$0x0];
	s2 =	stileid.u32  }
0x2d: {  	s1 =	rddreg [dreg:$0x1];
	p0 =	sne.s32 s2, $0x0  }
0x2e: {  	s3 =	rddreg [dreg:$0x2];
	[bflag:$0x3] =	sbarrier.arrive $0xFFFF;
	s2 =	simm.s32 @!p0 $0x1C02  }
0x2f: {  	[timem:s3], [sflag:s2] =	dma.local @!p0 [hbm:s0], s1  }
0x30: {  	s0 =	simm.s32 @!p0 $0x2  }
0x31: {  	_ =	swait.ge @!p0 [sflag:s0], s1  }
0x32: {  	s1 =	ssub.s32 @!p0 $0x0, s1;
	[sflag:s0] =	ssyncset.done @!p0 $0x0  }
0x33: {  	[sflag:s0] =	ssyncadd.s32 @!p0 s1  }
0x34: {  	[bflag:$0x3] =	sbarrier.arrive $0xFFFF  }
0x35: {  	_ =	shalt  }

</sc_bundles>
